<compile_context>
chip_gen: v7x
topology: tpu7x:2x2x1
jax: 0.10.2.dev20260603
libtpu: 0.0.44.dev20260713+nightly
codegen_flags: <defaults>
</compile_context>

<pallas_src>
import functools

import jax
import jax.numpy as jnp
from jax import lax
from jax.experimental import pallas as pl
from jax.experimental.pallas import tpu as pltpu
from jax.experimental.pallas import tpu_sc as plsc

D = 64
IPR = 128
CHUNK = 640
K = CHUNK // IPR


@functools.cache
def _build_gather(n_rows):
    info = plsc.get_sparse_core_info()
    nc, ns = info.num_cores, info.num_subcores
    nw = nc * ns
    assert n_rows % (nw * 2 * CHUNK) == 0
    rows_per_w = n_rows // nw
    n_chunks = rows_per_w // CHUNK
    n_pairs = n_chunks // 2
    mesh = plsc.VectorSubcoreMesh(core_axis_name="c", subcore_axis_name="s")

    @functools.partial(
        pl.kernel,
        mesh=mesh,
        compiler_params=pltpu.CompilerParams(use_tc_tiling_on_sc=False),
        out_type=jax.ShapeDtypeStruct((n_rows, D), jnp.float32),
        scratch_types=[
            pltpu.VMEM((K, IPR), jnp.int32),
            pltpu.VMEM((K, IPR), jnp.int32),
            pltpu.VMEM((CHUNK, D), jnp.float32),
            pltpu.VMEM((CHUNK, D), jnp.float32),
            pltpu.SemaphoreType.DMA,
            pltpu.SemaphoreType.DMA,
            pltpu.SemaphoreType.DMA,
            pltpu.SemaphoreType.DMA,
            pltpu.SemaphoreType.DMA,
            pltpu.SemaphoreType.DMA,
        ],
    )
    def gather(idx_hbm, table_hbm, out_hbm, idx0, idx1, rows0, rows1,
               gsem0, gsem1, ssem0, ssem1, isem0, isem1):
        wid = lax.axis_index("s") * nc + lax.axis_index("c")
        w_row0 = wid * rows_per_w
        w_irow0 = wid * (rows_per_w // IPR)

        idx_bufs = (idx0, idx1)
        row_bufs = (rows0, rows1)
        gsems = (gsem0, gsem1)
        ssems = (ssem0, ssem1)
        isems = (isem0, isem1)

        def fire_idx(g, b):
            pltpu.async_copy(
                idx_hbm.at[pl.ds(w_irow0 + g * K, K)], idx_bufs[b], isems[b])

        def drain_rows(sem, buf):
            pltpu.make_async_copy(out_hbm.at[pl.ds(w_row0, CHUNK)], buf,
                                  sem).wait()

        def drain_store(b):
            pltpu.make_async_copy(
                row_bufs[b], out_hbm.at[pl.ds(w_row0, CHUNK)], ssems[b]).wait()

        def stage(p, g, b):
            o = 1 - b
            @pl.when(p > 0)
            def _():
                drain_store(b)
            drain_rows(isems[b], idx_bufs[b])
            for j in range(K):
                pltpu.async_copy(
                    table_hbm.at[idx_bufs[b].at[j]],
                    row_bufs[b].at[pl.ds(j * IPR, IPR)],
                    gsems[b],
                )
            if b == 0:
                @pl.when(p > 0)
                def _():
                    drain_rows(gsems[o], row_bufs[o])
                    fire_idx(g + 1, o)
                    pltpu.async_copy(
                        row_bufs[o],
                        out_hbm.at[pl.ds(w_row0 + (g - 1) * CHUNK, CHUNK)],
                        ssems[o])

                @pl.when(p == 0)
                def _():
                    fire_idx(g + 1, o)
            else:
                drain_rows(gsems[o], row_bufs[o])

                @pl.when(p < n_pairs - 1)
                def _():
                    fire_idx(g + 1, o)

                pltpu.async_copy(
                    row_bufs[o],
                    out_hbm.at[pl.ds(w_row0 + (g - 1) * CHUNK, CHUNK)],
                    ssems[o])

        def body(p, carry):
            stage(p, 2 * p, 0)
            stage(p, 2 * p + 1, 1)
            return carry

        fire_idx(0, 0)
        lax.fori_loop(0, n_pairs, body, None)
        drain_rows(gsems[1], rows1)
        pltpu.async_copy(
            rows1, out_hbm.at[pl.ds(w_row0 + (n_chunks - 1) * CHUNK, CHUNK)],
            ssems[1])
        drain_store(0)
        drain_store(1)

    return gather


def kernel(POI_id, loc_table, user_table, time_table):
    b, h = POI_id.shape
    idx = POI_id.astype(jnp.int32).reshape(-1, IPR)
    flat = _build_gather(b * h)(idx, loc_table)
    loc_embedded = flat.reshape(b, h, D)
    return (loc_embedded, time_table, user_table)

# --- scband reference (transcript-rebuilt; emitter-appended) ---
"""Pipeline reference for scband-my-embedding-88545045775017 (READ-ONLY COPY).

The authoritative reference and input builder live on the scoring server;
editing this copy changes nothing except your own understanding.
"""

import jax, jax.numpy as jnp
import numpy as np

NUM_POIS = 1000000
NUM_USERS = 100000
BASE_DIM = 64
BATCH = 16384
HIST = 200


def setup_inputs(seed: int = 0) -> dict:
    key = jax.random.key(seed)
    k1, k2, k3, k4 = jax.random.split(key, 4)
    POI_id = jax.random.randint(k1, (BATCH, HIST), 0, NUM_POIS, dtype=jnp.int64 if jax.config.jax_enable_x64 else jnp.int32)
    loc_table = jax.random.normal(k2, (NUM_POIS, BASE_DIM), dtype=jnp.float32)
    user_table = jax.random.normal(k3, (NUM_USERS, BASE_DIM), dtype=jnp.float32)
    time_table = jax.random.normal(k4, (24, BASE_DIM), dtype=jnp.float32)
    return {"POI_id": POI_id, "loc_table": loc_table, "user_table": user_table, "time_table": time_table}


def reference(POI_id, loc_table, user_table, time_table):
    # loc_embedded = self.location_embedding(location_x)
    loc_embedded = jnp.take(loc_table, POI_id, axis=0)
    # user_embedded = self.user_embedding(arange(num_users))
    user_embedded = jnp.take(user_table, jnp.arange(NUM_USERS), axis=0)
    # timeslot_embedded = self.timeslot_embedding(arange(24))
    timeslot_embedded = jnp.take(time_table, jnp.arange(24), axis=0)
    return (loc_embedded, timeslot_embedded, user_embedded)

if __name__ == "__main__":
    import jax
    _d = setup_inputs()
    print(jax.jit(kernel)(*tuple(_d.values())))

</pallas_src>

<mosaic_0001>
#map = affine_map<(d0, d1) -> (0, 0)>
module attributes {stable_mosaic.version = 14 : i64} {
  func.func @gather(%arg0: i32, %arg1: i32, %arg2: memref<25600x128xi32, #tpu.memory_space<hbm>>, %arg3: memref<1000000x64xf32, #tpu.memory_space<hbm>>, %arg4: memref<3276800x64xf32, #tpu.memory_space<hbm>>, %arg5: memref<5x128xi32, #tpu.memory_space<vmem>>, %arg6: memref<5x128xi32, #tpu.memory_space<vmem>>, %arg7: memref<640x64xf32, #tpu.memory_space<vmem>>, %arg8: memref<640x64xf32, #tpu.memory_space<vmem>>, %arg9: memref<!tpu.dma_semaphore, #tpu.memory_space<semaphore_mem>>, %arg10: memref<!tpu.dma_semaphore, #tpu.memory_space<semaphore_mem>>, %arg11: memref<!tpu.dma_semaphore, #tpu.memory_space<semaphore_mem>>, %arg12: memref<!tpu.dma_semaphore, #tpu.memory_space<semaphore_mem>>, %arg13: memref<!tpu.dma_semaphore, #tpu.memory_space<semaphore_mem>>, %arg14: memref<!tpu.dma_semaphore, #tpu.memory_space<semaphore_mem>>) attributes {dimension_semantics = [#tpu.dimension_semantics<core_parallel>, #tpu.dimension_semantics<subcore_parallel>], iteration_bounds = array<i64: 2, 16>, scalar_prefetch = 0 : i64, scratch_operands = 10 : i64, tpu.core_type = #tpu.core_type<sc_vector_subcore>, window_params = [{transform_indices = #map}, {transform_indices = #map}, {transform_indices = #map}]} {
    %mul3A = arith.constant 2 : i32
    %mul3A_0 = arith.muli %arg1, %mul3A : i32
    %add3A = arith.addi %mul3A_0, %arg0 : i32
    %mul3A_1 = arith.constant 102400 : i32
    %mul3A_2 = arith.muli %add3A, %mul3A_1 : i32
    %mul3A_3 = arith.constant 800 : i32
    %mul3A_4 = arith.muli %add3A, %mul3A_3 : i32
    %add3A_5 = arith.constant 0 : i32
    %add3A_6 = arith.addi %mul3A_4, %add3A_5 : i32
    %dma_start3A = arith.constant 0 : i32
    %dma_start3A_7 = tpu.memref_slice %arg2[%add3A_6, %dma_start3A] : memref<25600x128xi32, #tpu.memory_space<hbm>> -> memref<5x128xi32, #tpu.memory_space<hbm>>
    %dma_start3A_8 = arith.constant 0 : i32
    %dma_start3A_9 = tpu.memref_slice %arg2[%add3A_6, %dma_start3A_8] : memref<25600x128xi32, #tpu.memory_space<hbm>> -> memref<5x128xi32, #tpu.memory_space<hbm>>
    tpu.enqueue_dma source(%dma_start3A_9 : memref<5x128xi32, #tpu.memory_space<hbm>>) target(%arg5 : memref<5x128xi32, #tpu.memory_space<vmem>>) target_semaphore(%arg13 : memref<!tpu.dma_semaphore, #tpu.memory_space<semaphore_mem>>)
    %scan3A = arith.constant 0 : i32
    %scan3A_10 = arith.constant 80 : i32
    %scan3A_11 = arith.addi %scan3A, %scan3A_10 : i32
    %scan3A_12 = arith.constant 1 : i32
    scf.for %scan3A_31 = %scan3A to %scan3A_11 step %scan3A_12  : i32 {
      %mul3A_32 = arith.constant 2 : i32
      %mul3A_33 = arith.muli %mul3A_32, %scan3A_31 : i32
      %gt3A = arith.constant 0 : i32
      %gt3A_34 = arith.cmpi sgt, %scan3A_31, %gt3A : i32
      %convert_element_type3A = arith.extui %gt3A_34 : i1 to i32
      %cond3A = arith.constant 0 : i32
      %cond3A_35 = arith.cmpi ne, %convert_element_type3A, %cond3A : i32
      scf.if %cond3A_35 {
        %dma_wait3A_178 = arith.constant 0 : i32
        %dma_wait3A_179 = tpu.memref_slice %arg4[%mul3A_2, %dma_wait3A_178] : memref<3276800x64xf32, #tpu.memory_space<hbm>> -> memref<640x64xf32, #tpu.memory_space<hbm>>
        %dma_wait3A_180 = arith.constant 0 : i32
        %dma_wait3A_181 = tpu.memref_slice %arg4[%mul3A_2, %dma_wait3A_180] : memref<3276800x64xf32, #tpu.memory_space<hbm>> -> memref<640x64xf32, #tpu.memory_space<hbm>>
        tpu.wait_dma2 semaphore(%arg11 : memref<!tpu.dma_semaphore, #tpu.memory_space<semaphore_mem>>) src(%arg7 : memref<640x64xf32, #tpu.memory_space<vmem>>) dst(%dma_wait3A_181 : memref<640x64xf32, #tpu.memory_space<hbm>>)
      } else {
      }
      %dma_wait3A_36 = arith.constant 0 : i32
      %dma_wait3A_37 = tpu.memref_slice %arg4[%mul3A_2, %dma_wait3A_36] : memref<3276800x64xf32, #tpu.memory_space<hbm>> -> memref<640x64xf32, #tpu.memory_space<hbm>>
      %dma_wait3A_38 = arith.constant 0 : i32
      %dma_wait3A_39 = tpu.memref_slice %arg4[%mul3A_2, %dma_wait3A_38] : memref<3276800x64xf32, #tpu.memory_space<hbm>> -> memref<640x64xf32, #tpu.memory_space<hbm>>
      tpu.wait_dma2 semaphore(%arg13 : memref<!tpu.dma_semaphore, #tpu.memory_space<semaphore_mem>>) src(%dma_wait3A_39 : memref<640x64xf32, #tpu.memory_space<hbm>>) dst(%arg5 : memref<5x128xi32, #tpu.memory_space<vmem>>)
      %dma_start3A_40 = arith.constant 0 : i32
      %dma_start3A_41 = arith.constant 0 : i32
      %dma_start3A_42 = arith.constant 0 : i32
      %dma_start3A_43 = tpu.memref_slice %arg7[%dma_start3A_41, %dma_start3A_42] : memref<640x64xf32, #tpu.memory_space<vmem>> -> memref<128x64xf32, #tpu.memory_space<vmem>>
      %dma_start3A_44 = arith.constant 0 : i32
      %dma_start3A_45 = tpu.memref_slice %arg5[%dma_start3A_40, %dma_start3A_44] : memref<5x128xi32, #tpu.memory_space<vmem>> -> memref<1x128xi32, #tpu.memory_space<vmem>>
      %dma_start3A_46 = tpu.memref_squeeze %dma_start3A_45 : memref<1x128xi32, #tpu.memory_space<vmem>> -> memref<128xi32, #tpu.memory_space<vmem>>
      %dma_start3A_47 = arith.constant 0 : i32
      %dma_start3A_48 = arith.constant 0 : i32
      %dma_start3A_49 = tpu.memref_slice %arg3[%dma_start3A_47, %dma_start3A_48] : memref<1000000x64xf32, #tpu.memory_space<hbm>> -> memref<1000000x64xf32, #tpu.memory_space<hbm>>
      tpu.enqueue_indirect_dma source(%dma_start3A_49 : memref<1000000x64xf32, #tpu.memory_space<hbm>>) target(%dma_start3A_43 : memref<128x64xf32, #tpu.memory_space<vmem>>) offsets(%dma_start3A_46 : memref<128xi32, #tpu.memory_space<vmem>>) semaphore(%arg9 : memref<!tpu.dma_semaphore, #tpu.memory_space<semaphore_mem>>)
      %dma_start3A_50 = arith.constant 1 : i32
      %dma_start3A_51 = arith.constant 128 : i32
      %dma_start3A_52 = arith.constant 0 : i32
      %dma_start3A_53 = tpu.memref_slice %arg7[%dma_start3A_51, %dma_start3A_52] : memref<640x64xf32, #tpu.memory_space<vmem>> -> memref<128x64xf32, #tpu.memory_space<vmem>>
      %dma_start3A_54 = arith.constant 0 : i32
      %dma_start3A_55 = tpu.memref_slice %arg5[%dma_start3A_50, %dma_start3A_54] : memref<5x128xi32, #tpu.memory_space<vmem>> -> memref<1x128xi32, #tpu.memory_space<vmem>>
      %dma_start3A_56 = tpu.memref_squeeze %dma_start3A_55 : memref<1x128xi32, #tpu.memory_space<vmem>> -> memref<128xi32, #tpu.memory_space<vmem>>
      %dma_start3A_57 = arith.constant 0 : i32
      %dma_start3A_58 = arith.constant 0 : i32
      %dma_start3A_59 = tpu.memref_slice %arg3[%dma_start3A_57, %dma_start3A_58] : memref<1000000x64xf32, #tpu.memory_space<hbm>> -> memref<1000000x64xf32, #tpu.memory_space<hbm>>
      tpu.enqueue_indirect_dma source(%dma_start3A_59 : memref<1000000x64xf32, #tpu.memory_space<hbm>>) target(%dma_start3A_53 : memref<128x64xf32, #tpu.memory_space<vmem>>) offsets(%dma_start3A_56 : memref<128xi32, #tpu.memory_space<vmem>>) semaphore(%arg9 : memref<!tpu.dma_semaphore, #tpu.memory_space<semaphore_mem>>)
      %dma_start3A_60 = arith.constant 2 : i32
      %dma_start3A_61 = arith.constant 256 : i32
      %dma_start3A_62 = arith.constant 0 : i32
      %dma_start3A_63 = tpu.memref_slice %arg7[%dma_start3A_61, %dma_start3A_62] : memref<640x64xf32, #tpu.memory_space<vmem>> -> memref<128x64xf32, #tpu.memory_space<vmem>>
      %dma_start3A_64 = arith.constant 0 : i32
      %dma_start3A_65 = tpu.memref_slice %arg5[%dma_start3A_60, %dma_start3A_64] : memref<5x128xi32, #tpu.memory_space<vmem>> -> memref<1x128xi32, #tpu.memory_space<vmem>>
      %dma_start3A_66 = tpu.memref_squeeze %dma_start3A_65 : memref<1x128xi32, #tpu.memory_space<vmem>> -> memref<128xi32, #tpu.memory_space<vmem>>
      %dma_start3A_67 = arith.constant 0 : i32
      %dma_start3A_68 = arith.constant 0 : i32
      %dma_start3A_69 = tpu.memref_slice %arg3[%dma_start3A_67, %dma_start3A_68] : memref<1000000x64xf32, #tpu.memory_space<hbm>> -> memref<1000000x64xf32, #tpu.memory_space<hbm>>
      tpu.enqueue_indirect_dma source(%dma_start3A_69 : memref<1000000x64xf32, #tpu.memory_space<hbm>>) target(%dma_start3A_63 : memref<128x64xf32, #tpu.memory_space<vmem>>) offsets(%dma_start3A_66 : memref<128xi32, #tpu.memory_space<vmem>>) semaphore(%arg9 : memref<!tpu.dma_semaphore, #tpu.memory_space<semaphore_mem>>)
      %dma_start3A_70 = arith.constant 3 : i32
      %dma_start3A_71 = arith.constant 384 : i32
      %dma_start3A_72 = arith.constant 0 : i32
      %dma_start3A_73 = tpu.memref_slice %arg7[%dma_start3A_71, %dma_start3A_72] : memref<640x64xf32, #tpu.memory_space<vmem>> -> memref<128x64xf32, #tpu.memory_space<vmem>>
      %dma_start3A_74 = arith.constant 0 : i32
      %dma_start3A_75 = tpu.memref_slice %arg5[%dma_start3A_70, %dma_start3A_74] : memref<5x128xi32, #tpu.memory_space<vmem>> -> memref<1x128xi32, #tpu.memory_space<vmem>>
      %dma_start3A_76 = tpu.memref_squeeze %dma_start3A_75 : memref<1x128xi32, #tpu.memory_space<vmem>> -> memref<128xi32, #tpu.memory_space<vmem>>
      %dma_start3A_77 = arith.constant 0 : i32
      %dma_start3A_78 = arith.constant 0 : i32
      %dma_start3A_79 = tpu.memref_slice %arg3[%dma_start3A_77, %dma_start3A_78] : memref<1000000x64xf32, #tpu.memory_space<hbm>> -> memref<1000000x64xf32, #tpu.memory_space<hbm>>
      tpu.enqueue_indirect_dma source(%dma_start3A_79 : memref<1000000x64xf32, #tpu.memory_space<hbm>>) target(%dma_start3A_73 : memref<128x64xf32, #tpu.memory_space<vmem>>) offsets(%dma_start3A_76 : memref<128xi32, #tpu.memory_space<vmem>>) semaphore(%arg9 : memref<!tpu.dma_semaphore, #tpu.memory_space<semaphore_mem>>)
      %dma_start3A_80 = arith.constant 4 : i32
      %dma_start3A_81 = arith.constant 512 : i32
      %dma_start3A_82 = arith.constant 0 : i32
      %dma_start3A_83 = tpu.memref_slice %arg7[%dma_start3A_81, %dma_start3A_82] : memref<640x64xf32, #tpu.memory_space<vmem>> -> memref<128x64xf32, #tpu.memory_space<vmem>>
      %dma_start3A_84 = arith.constant 0 : i32
      %dma_start3A_85 = tpu.memref_slice %arg5[%dma_start3A_80, %dma_start3A_84] : memref<5x128xi32, #tpu.memory_space<vmem>> -> memref<1x128xi32, #tpu.memory_space<vmem>>
      %dma_start3A_86 = tpu.memref_squeeze %dma_start3A_85 : memref<1x128xi32, #tpu.memory_space<vmem>> -> memref<128xi32, #tpu.memory_space<vmem>>
      %dma_start3A_87 = arith.constant 0 : i32
      %dma_start3A_88 = arith.constant 0 : i32
      %dma_start3A_89 = tpu.memref_slice %arg3[%dma_start3A_87, %dma_start3A_88] : memref<1000000x64xf32, #tpu.memory_space<hbm>> -> memref<1000000x64xf32, #tpu.memory_space<hbm>>
      tpu.enqueue_indirect_dma source(%dma_start3A_89 : memref<1000000x64xf32, #tpu.memory_space<hbm>>) target(%dma_start3A_83 : memref<128x64xf32, #tpu.memory_space<vmem>>) offsets(%dma_start3A_86 : memref<128xi32, #tpu.memory_space<vmem>>) semaphore(%arg9 : memref<!tpu.dma_semaphore, #tpu.memory_space<semaphore_mem>>)
      %gt3A_90 = arith.constant 0 : i32
      %gt3A_91 = arith.cmpi sgt, %scan3A_31, %gt3A_90 : i32
      %convert_element_type3A_92 = arith.extui %gt3A_91 : i1 to i32
      %cond3A_93 = arith.constant 0 : i32
      %cond3A_94 = arith.cmpi ne, %convert_element_type3A_92, %cond3A_93 : i32
      scf.if %cond3A_94 {
        %dma_wait3A_178 = arith.constant 0 : i32
        %dma_wait3A_179 = tpu.memref_slice %arg4[%mul3A_2, %dma_wait3A_178] : memref<3276800x64xf32, #tpu.memory_space<hbm>> -> memref<640x64xf32, #tpu.memory_space<hbm>>
        %dma_wait3A_180 = arith.constant 0 : i32
        %dma_wait3A_181 = tpu.memref_slice %arg4[%mul3A_2, %dma_wait3A_180] : memref<3276800x64xf32, #tpu.memory_space<hbm>> -> memref<640x64xf32, #tpu.memory_space<hbm>>
        tpu.wait_dma2 semaphore(%arg10 : memref<!tpu.dma_semaphore, #tpu.memory_space<semaphore_mem>>) src(%dma_wait3A_181 : memref<640x64xf32, #tpu.memory_space<hbm>>) dst(%arg8 : memref<640x64xf32, #tpu.memory_space<vmem>>)
        %add3A_182 = arith.constant 1 : i32
        %add3A_183 = arith.addi %mul3A_33, %add3A_182 : i32
        %mul3A_184 = arith.constant 5 : i32
        %mul3A_185 = arith.muli %add3A_183, %mul3A_184 : i32
        %add3A_186 = arith.addi %mul3A_4, %mul3A_185 : i32
        %dma_start3A_187 = arith.constant 0 : i32
        %dma_start3A_188 = tpu.memref_slice %arg2[%add3A_186, %dma_start3A_187] : memref<25600x128xi32, #tpu.memory_space<hbm>> -> memref<5x128xi32, #tpu.memory_space<hbm>>
        %dma_start3A_189 = arith.constant 0 : i32
        %dma_start3A_190 = tpu.memref_slice %arg2[%add3A_186, %dma_start3A_189] : memref<25600x128xi32, #tpu.memory_space<hbm>> -> memref<5x128xi32, #tpu.memory_space<hbm>>
        tpu.enqueue_dma source(%dma_start3A_190 : memref<5x128xi32, #tpu.memory_space<hbm>>) target(%arg6 : memref<5x128xi32, #tpu.memory_space<vmem>>) target_semaphore(%arg14 : memref<!tpu.dma_semaphore, #tpu.memory_space<semaphore_mem>>)
        %sub3A_191 = arith.constant 1 : i32
        %sub3A_192 = arith.subi %mul3A_33, %sub3A_191 : i32
        %mul3A_193 = arith.constant 640 : i32
        %mul3A_194 = arith.muli %sub3A_192, %mul3A_193 : i32
        %add3A_195 = arith.addi %mul3A_2, %mul3A_194 : i32
        %dma_start3A_196 = arith.constant 0 : i32
        %dma_start3A_197 = tpu.memref_slice %arg4[%add3A_195, %dma_start3A_196] : memref<3276800x64xf32, #tpu.memory_space<hbm>> -> memref<640x64xf32, #tpu.memory_space<hbm>>
        %dma_start3A_198 = arith.constant 0 : i32
        %dma_start3A_199 = tpu.memref_slice %arg4[%add3A_195, %dma_start3A_198] : memref<3276800x64xf32, #tpu.memory_space<hbm>> -> memref<640x64xf32, #tpu.memory_space<hbm>>
        tpu.enqueue_dma source(%arg8 : memref<640x64xf32, #tpu.memory_space<vmem>>) target(%dma_start3A_199 : memref<640x64xf32, #tpu.memory_space<hbm>>) target_semaphore(%arg12 : memref<!tpu.dma_semaphore, #tpu.memory_space<semaphore_mem>>)
      } else {
      }
      %eq3A = arith.constant 0 : i32
      %eq3A_95 = arith.cmpi eq, %scan3A_31, %eq3A : i32
      %convert_element_type3A_96 = arith.extui %eq3A_95 : i1 to i32
      %cond3A_97 = arith.constant 0 : i32
      %cond3A_98 = arith.cmpi ne, %convert_element_type3A_96, %cond3A_97 : i32
      scf.if %cond3A_98 {
        %add3A_178 = arith.constant 1 : i32
        %add3A_179 = arith.addi %mul3A_33, %add3A_178 : i32
        %mul3A_180 = arith.constant 5 : i32
        %mul3A_181 = arith.muli %add3A_179, %mul3A_180 : i32
        %add3A_182 = arith.addi %mul3A_4, %mul3A_181 : i32
        %dma_start3A_183 = arith.constant 0 : i32
        %dma_start3A_184 = tpu.memref_slice %arg2[%add3A_182, %dma_start3A_183] : memref<25600x128xi32, #tpu.memory_space<hbm>> -> memref<5x128xi32, #tpu.memory_space<hbm>>
        %dma_start3A_185 = arith.constant 0 : i32
        %dma_start3A_186 = tpu.memref_slice %arg2[%add3A_182, %dma_start3A_185] : memref<25600x128xi32, #tpu.memory_space<hbm>> -> memref<5x128xi32, #tpu.memory_space<hbm>>
        tpu.enqueue_dma source(%dma_start3A_186 : memref<5x128xi32, #tpu.memory_space<hbm>>) target(%arg6 : memref<5x128xi32, #tpu.memory_space<vmem>>) target_semaphore(%arg14 : memref<!tpu.dma_semaphore, #tpu.memory_space<semaphore_mem>>)
      } else {
      }
      %mul3A_99 = arith.constant 2 : i32
      %mul3A_100 = arith.muli %mul3A_99, %scan3A_31 : i32
      %add3A_101 = arith.constant 1 : i32
      %add3A_102 = arith.addi %mul3A_100, %add3A_101 : i32
      %gt3A_103 = arith.constant 0 : i32
      %gt3A_104 = arith.cmpi sgt, %scan3A_31, %gt3A_103 : i32
      %convert_element_type3A_105 = arith.extui %gt3A_104 : i1 to i32
      %cond3A_106 = arith.constant 0 : i32
      %cond3A_107 = arith.cmpi ne, %convert_element_type3A_105, %cond3A_106 : i32
      scf.if %cond3A_107 {
        %dma_wait3A_178 = arith.constant 0 : i32
        %dma_wait3A_179 = tpu.memref_slice %arg4[%mul3A_2, %dma_wait3A_178] : memref<3276800x64xf32, #tpu.memory_space<hbm>> -> memref<640x64xf32, #tpu.memory_space<hbm>>
        %dma_wait3A_180 = arith.constant 0 : i32
        %dma_wait3A_181 = tpu.memref_slice %arg4[%mul3A_2, %dma_wait3A_180] : memref<3276800x64xf32, #tpu.memory_space<hbm>> -> memref<640x64xf32, #tpu.memory_space<hbm>>
        tpu.wait_dma2 semaphore(%arg12 : memref<!tpu.dma_semaphore, #tpu.memory_space<semaphore_mem>>) src(%arg8 : memref<640x64xf32, #tpu.memory_space<vmem>>) dst(%dma_wait3A_181 : memref<640x64xf32, #tpu.memory_space<hbm>>)
      } else {
      }
      %dma_wait3A_108 = arith.constant 0 : i32
      %dma_wait3A_109 = tpu.memref_slice %arg4[%mul3A_2, %dma_wait3A_108] : memref<3276800x64xf32, #tpu.memory_space<hbm>> -> memref<640x64xf32, #tpu.memory_space<hbm>>
      %dma_wait3A_110 = arith.constant 0 : i32
      %dma_wait3A_111 = tpu.memref_slice %arg4[%mul3A_2, %dma_wait3A_110] : memref<3276800x64xf32, #tpu.memory_space<hbm>> -> memref<640x64xf32, #tpu.memory_space<hbm>>
      tpu.wait_dma2 semaphore(%arg14 : memref<!tpu.dma_semaphore, #tpu.memory_space<semaphore_mem>>) src(%dma_wait3A_111 : memref<640x64xf32, #tpu.memory_space<hbm>>) dst(%arg6 : memref<5x128xi32, #tpu.memory_space<vmem>>)
      %dma_start3A_112 = arith.constant 0 : i32
      %dma_start3A_113 = arith.constant 0 : i32
      %dma_start3A_114 = arith.constant 0 : i32
      %dma_start3A_115 = tpu.memref_slice %arg8[%dma_start3A_113, %dma_start3A_114] : memref<640x64xf32, #tpu.memory_space<vmem>> -> memref<128x64xf32, #tpu.memory_space<vmem>>
      %dma_start3A_116 = arith.constant 0 : i32
      %dma_start3A_117 = tpu.memref_slice %arg6[%dma_start3A_112, %dma_start3A_116] : memref<5x128xi32, #tpu.memory_space<vmem>> -> memref<1x128xi32, #tpu.memory_space<vmem>>
      %dma_start3A_118 = tpu.memref_squeeze %dma_start3A_117 : memref<1x128xi32, #tpu.memory_space<vmem>> -> memref<128xi32, #tpu.memory_space<vmem>>
      %dma_start3A_119 = arith.constant 0 : i32
      %dma_start3A_120 = arith.constant 0 : i32
      %dma_start3A_121 = tpu.memref_slice %arg3[%dma_start3A_119, %dma_start3A_120] : memref<1000000x64xf32, #tpu.memory_space<hbm>> -> memref<1000000x64xf32, #tpu.memory_space<hbm>>
      tpu.enqueue_indirect_dma source(%dma_start3A_121 : memref<1000000x64xf32, #tpu.memory_space<hbm>>) target(%dma_start3A_115 : memref<128x64xf32, #tpu.memory_space<vmem>>) offsets(%dma_start3A_118 : memref<128xi32, #tpu.memory_space<vmem>>) semaphore(%arg10 : memref<!tpu.dma_semaphore, #tpu.memory_space<semaphore_mem>>)
      %dma_start3A_122 = arith.constant 1 : i32
      %dma_start3A_123 = arith.constant 128 : i32
      %dma_start3A_124 = arith.constant 0 : i32
      %dma_start3A_125 = tpu.memref_slice %arg8[%dma_start3A_123, %dma_start3A_124] : memref<640x64xf32, #tpu.memory_space<vmem>> -> memref<128x64xf32, #tpu.memory_space<vmem>>
      %dma_start3A_126 = arith.constant 0 : i32
      %dma_start3A_127 = tpu.memref_slice %arg6[%dma_start3A_122, %dma_start3A_126] : memref<5x128xi32, #tpu.memory_space<vmem>> -> memref<1x128xi32, #tpu.memory_space<vmem>>
      %dma_start3A_128 = tpu.memref_squeeze %dma_start3A_127 : memref<1x128xi32, #tpu.memory_space<vmem>> -> memref<128xi32, #tpu.memory_space<vmem>>
      %dma_start3A_129 = arith.constant 0 : i32
      %dma_start3A_130 = arith.constant 0 : i32
      %dma_start3A_131 = tpu.memref_slice %arg3[%dma_start3A_129, %dma_start3A_130] : memref<1000000x64xf32, #tpu.memory_space<hbm>> -> memref<1000000x64xf32, #tpu.memory_space<hbm>>
      tpu.enqueue_indirect_dma source(%dma_start3A_131 : memref<1000000x64xf32, #tpu.memory_space<hbm>>) target(%dma_start3A_125 : memref<128x64xf32, #tpu.memory_space<vmem>>) offsets(%dma_start3A_128 : memref<128xi32, #tpu.memory_space<vmem>>) semaphore(%arg10 : memref<!tpu.dma_semaphore, #tpu.memory_space<semaphore_mem>>)
      %dma_start3A_132 = arith.constant 2 : i32
      %dma_start3A_133 = arith.constant 256 : i32
      %dma_start3A_134 = arith.constant 0 : i32
      %dma_start3A_135 = tpu.memref_slice %arg8[%dma_start3A_133, %dma_start3A_134] : memref<640x64xf32, #tpu.memory_space<vmem>> -> memref<128x64xf32, #tpu.memory_space<vmem>>
      %dma_start3A_136 = arith.constant 0 : i32
      %dma_start3A_137 = tpu.memref_slice %arg6[%dma_start3A_132, %dma_start3A_136] : memref<5x128xi32, #tpu.memory_space<vmem>> -> memref<1x128xi32, #tpu.memory_space<vmem>>
      %dma_start3A_138 = tpu.memref_squeeze %dma_start3A_137 : memref<1x128xi32, #tpu.memory_space<vmem>> -> memref<128xi32, #tpu.memory_space<vmem>>
      %dma_start3A_139 = arith.constant 0 : i32
      %dma_start3A_140 = arith.constant 0 : i32
      %dma_start3A_141 = tpu.memref_slice %arg3[%dma_start3A_139, %dma_start3A_140] : memref<1000000x64xf32, #tpu.memory_space<hbm>> -> memref<1000000x64xf32, #tpu.memory_space<hbm>>
      tpu.enqueue_indirect_dma source(%dma_start3A_141 : memref<1000000x64xf32, #tpu.memory_space<hbm>>) target(%dma_start3A_135 : memref<128x64xf32, #tpu.memory_space<vmem>>) offsets(%dma_start3A_138 : memref<128xi32, #tpu.memory_space<vmem>>) semaphore(%arg10 : memref<!tpu.dma_semaphore, #tpu.memory_space<semaphore_mem>>)
      %dma_start3A_142 = arith.constant 3 : i32
      %dma_start3A_143 = arith.constant 384 : i32
      %dma_start3A_144 = arith.constant 0 : i32
      %dma_start3A_145 = tpu.memref_slice %arg8[%dma_start3A_143, %dma_start3A_144] : memref<640x64xf32, #tpu.memory_space<vmem>> -> memref<128x64xf32, #tpu.memory_space<vmem>>
      %dma_start3A_146 = arith.constant 0 : i32
      %dma_start3A_147 = tpu.memref_slice %arg6[%dma_start3A_142, %dma_start3A_146] : memref<5x128xi32, #tpu.memory_space<vmem>> -> memref<1x128xi32, #tpu.memory_space<vmem>>
      %dma_start3A_148 = tpu.memref_squeeze %dma_start3A_147 : memref<1x128xi32, #tpu.memory_space<vmem>> -> memref<128xi32, #tpu.memory_space<vmem>>
      %dma_start3A_149 = arith.constant 0 : i32
      %dma_start3A_150 = arith.constant 0 : i32
      %dma_start3A_151 = tpu.memref_slice %arg3[%dma_start3A_149, %dma_start3A_150] : memref<1000000x64xf32, #tpu.memory_space<hbm>> -> memref<1000000x64xf32, #tpu.memory_space<hbm>>
      tpu.enqueue_indirect_dma source(%dma_start3A_151 : memref<1000000x64xf32, #tpu.memory_space<hbm>>) target(%dma_start3A_145 : memref<128x64xf32, #tpu.memory_space<vmem>>) offsets(%dma_start3A_148 : memref<128xi32, #tpu.memory_space<vmem>>) semaphore(%arg10 : memref<!tpu.dma_semaphore, #tpu.memory_space<semaphore_mem>>)
      %dma_start3A_152 = arith.constant 4 : i32
      %dma_start3A_153 = arith.constant 512 : i32
      %dma_start3A_154 = arith.constant 0 : i32
      %dma_start3A_155 = tpu.memref_slice %arg8[%dma_start3A_153, %dma_start3A_154] : memref<640x64xf32, #tpu.memory_space<vmem>> -> memref<128x64xf32, #tpu.memory_space<vmem>>
      %dma_start3A_156 = arith.constant 0 : i32
      %dma_start3A_157 = tpu.memref_slice %arg6[%dma_start3A_152, %dma_start3A_156] : memref<5x128xi32, #tpu.memory_space<vmem>> -> memref<1x128xi32, #tpu.memory_space<vmem>>
      %dma_start3A_158 = tpu.memref_squeeze %dma_start3A_157 : memref<1x128xi32, #tpu.memory_space<vmem>> -> memref<128xi32, #tpu.memory_space<vmem>>
      %dma_start3A_159 = arith.constant 0 : i32
      %dma_start3A_160 = arith.constant 0 : i32
      %dma_start3A_161 = tpu.memref_slice %arg3[%dma_start3A_159, %dma_start3A_160] : memref<1000000x64xf32, #tpu.memory_space<hbm>> -> memref<1000000x64xf32, #tpu.memory_space<hbm>>
      tpu.enqueue_indirect_dma source(%dma_start3A_161 : memref<1000000x64xf32, #tpu.memory_space<hbm>>) target(%dma_start3A_155 : memref<128x64xf32, #tpu.memory_space<vmem>>) offsets(%dma_start3A_158 : memref<128xi32, #tpu.memory_space<vmem>>) semaphore(%arg10 : memref<!tpu.dma_semaphore, #tpu.memory_space<semaphore_mem>>)
      %dma_wait3A_162 = arith.constant 0 : i32
      %dma_wait3A_163 = tpu.memref_slice %arg4[%mul3A_2, %dma_wait3A_162] : memref<3276800x64xf32, #tpu.memory_space<hbm>> -> memref<640x64xf32, #tpu.memory_space<hbm>>
      %dma_wait3A_164 = arith.constant 0 : i32
      %dma_wait3A_165 = tpu.memref_slice %arg4[%mul3A_2, %dma_wait3A_164] : memref<3276800x64xf32, #tpu.memory_space<hbm>> -> memref<640x64xf32, #tpu.memory_space<hbm>>
      tpu.wait_dma2 semaphore(%arg9 : memref<!tpu.dma_semaphore, #tpu.memory_space<semaphore_mem>>) src(%dma_wait3A_165 : memref<640x64xf32, #tpu.memory_space<hbm>>) dst(%arg7 : memref<640x64xf32, #tpu.memory_space<vmem>>)
      %lt3A = arith.constant 79 : i32
      %lt3A_166 = arith.cmpi slt, %scan3A_31, %lt3A : i32
      %convert_element_type3A_167 = arith.extui %lt3A_166 : i1 to i32
      %cond3A_168 = arith.constant 0 : i32
      %cond3A_169 = arith.cmpi ne, %convert_element_type3A_167, %cond3A_168 : i32
      scf.if %cond3A_169 {
        %add3A_178 = arith.constant 1 : i32
        %add3A_179 = arith.addi %add3A_102, %add3A_178 : i32
        %mul3A_180 = arith.constant 5 : i32
        %mul3A_181 = arith.muli %add3A_179, %mul3A_180 : i32
        %add3A_182 = arith.addi %mul3A_4, %mul3A_181 : i32
        %dma_start3A_183 = arith.constant 0 : i32
        %dma_start3A_184 = tpu.memref_slice %arg2[%add3A_182, %dma_start3A_183] : memref<25600x128xi32, #tpu.memory_space<hbm>> -> memref<5x128xi32, #tpu.memory_space<hbm>>
        %dma_start3A_185 = arith.constant 0 : i32
        %dma_start3A_186 = tpu.memref_slice %arg2[%add3A_182, %dma_start3A_185] : memref<25600x128xi32, #tpu.memory_space<hbm>> -> memref<5x128xi32, #tpu.memory_space<hbm>>
        tpu.enqueue_dma source(%dma_start3A_186 : memref<5x128xi32, #tpu.memory_space<hbm>>) target(%arg5 : memref<5x128xi32, #tpu.memory_space<vmem>>) target_semaphore(%arg13 : memref<!tpu.dma_semaphore, #tpu.memory_space<semaphore_mem>>)
      } else {
      }
      %sub3A = arith.constant 1 : i32
      %sub3A_170 = arith.subi %add3A_102, %sub3A : i32
      %mul3A_171 = arith.constant 640 : i32
      %mul3A_172 = arith.muli %sub3A_170, %mul3A_171 : i32
      %add3A_173 = arith.addi %mul3A_2, %mul3A_172 : i32
      %dma_start3A_174 = arith.constant 0 : i32
      %dma_start3A_175 = tpu.memref_slice %arg4[%add3A_173, %dma_start3A_174] : memref<3276800x64xf32, #tpu.memory_space<hbm>> -> memref<640x64xf32, #tpu.memory_space<hbm>>
      %dma_start3A_176 = arith.constant 0 : i32
      %dma_start3A_177 = tpu.memref_slice %arg4[%add3A_173, %dma_start3A_176] : memref<3276800x64xf32, #tpu.memory_space<hbm>> -> memref<640x64xf32, #tpu.memory_space<hbm>>
      tpu.enqueue_dma source(%arg7 : memref<640x64xf32, #tpu.memory_space<vmem>>) target(%dma_start3A_177 : memref<640x64xf32, #tpu.memory_space<hbm>>) target_semaphore(%arg11 : memref<!tpu.dma_semaphore, #tpu.memory_space<semaphore_mem>>)
    }
    %scan3A_13 = arith.constant 80 : i32
    %dma_wait3A = arith.constant 0 : i32
    %dma_wait3A_14 = tpu.memref_slice %arg4[%mul3A_2, %dma_wait3A] : memref<3276800x64xf32, #tpu.memory_space<hbm>> -> memref<640x64xf32, #tpu.memory_space<hbm>>
    %dma_wait3A_15 = arith.constant 0 : i32
    %dma_wait3A_16 = tpu.memref_slice %arg4[%mul3A_2, %dma_wait3A_15] : memref<3276800x64xf32, #tpu.memory_space<hbm>> -> memref<640x64xf32, #tpu.memory_space<hbm>>
    tpu.wait_dma2 semaphore(%arg10 : memref<!tpu.dma_semaphore, #tpu.memory_space<semaphore_mem>>) src(%dma_wait3A_16 : memref<640x64xf32, #tpu.memory_space<hbm>>) dst(%arg8 : memref<640x64xf32, #tpu.memory_space<vmem>>)
    %add3A_17 = arith.constant 101760 : i32
    %add3A_18 = arith.addi %mul3A_2, %add3A_17 : i32
    %dma_start3A_19 = arith.constant 0 : i32
    %dma_start3A_20 = tpu.memref_slice %arg4[%add3A_18, %dma_start3A_19] : memref<3276800x64xf32, #tpu.memory_space<hbm>> -> memref<640x64xf32, #tpu.memory_space<hbm>>
    %dma_start3A_21 = arith.constant 0 : i32
    %dma_start3A_22 = tpu.memref_slice %arg4[%add3A_18, %dma_start3A_21] : memref<3276800x64xf32, #tpu.memory_space<hbm>> -> memref<640x64xf32, #tpu.memory_space<hbm>>
    tpu.enqueue_dma source(%arg8 : memref<640x64xf32, #tpu.memory_space<vmem>>) target(%dma_start3A_22 : memref<640x64xf32, #tpu.memory_space<hbm>>) target_semaphore(%arg12 : memref<!tpu.dma_semaphore, #tpu.memory_space<semaphore_mem>>)
    %dma_wait3A_23 = arith.constant 0 : i32
    %dma_wait3A_24 = tpu.memref_slice %arg4[%mul3A_2, %dma_wait3A_23] : memref<3276800x64xf32, #tpu.memory_space<hbm>> -> memref<640x64xf32, #tpu.memory_space<hbm>>
    %dma_wait3A_25 = arith.constant 0 : i32
    %dma_wait3A_26 = tpu.memref_slice %arg4[%mul3A_2, %dma_wait3A_25] : memref<3276800x64xf32, #tpu.memory_space<hbm>> -> memref<640x64xf32, #tpu.memory_space<hbm>>
    tpu.wait_dma2 semaphore(%arg11 : memref<!tpu.dma_semaphore, #tpu.memory_space<semaphore_mem>>) src(%arg7 : memref<640x64xf32, #tpu.memory_space<vmem>>) dst(%dma_wait3A_26 : memref<640x64xf32, #tpu.memory_space<hbm>>)
    %dma_wait3A_27 = arith.constant 0 : i32
    %dma_wait3A_28 = tpu.memref_slice %arg4[%mul3A_2, %dma_wait3A_27] : memref<3276800x64xf32, #tpu.memory_space<hbm>> -> memref<640x64xf32, #tpu.memory_space<hbm>>
    %dma_wait3A_29 = arith.constant 0 : i32
    %dma_wait3A_30 = tpu.memref_slice %arg4[%mul3A_2, %dma_wait3A_29] : memref<3276800x64xf32, #tpu.memory_space<hbm>> -> memref<640x64xf32, #tpu.memory_space<hbm>>
    tpu.wait_dma2 semaphore(%arg12 : memref<!tpu.dma_semaphore, #tpu.memory_space<semaphore_mem>>) src(%arg8 : memref<640x64xf32, #tpu.memory_space<vmem>>) dst(%dma_wait3A_30 : memref<640x64xf32, #tpu.memory_space<hbm>>)
    return
  }
}

</mosaic_0001>

<sc_bundles>
// kernel: kernel.3.cloned.1.call-start
scs
__scs_entry_jumppad:
0x0: {  	(pc) =	sbr.rel $0x88, $3  }
0x1: {  	(tag) =	ssettag $0x0;
	lr =	simm.s32 $0x1  }
0x2: {  	[smem:$0x3F9D] =	sst lr;
	_ =	strace $0xD0000000  }
0x3: {  	_ = 	snop  }
0x4: {  	_ = 	snop  }
0x5: {  	_ = 	snop  }
0x6: {  	_ = 	snop  }
0x7: {  	_ = 	snop  }
__scs_overlays_trampoline_lowered:
0x8: {  	[smem:$0x3FAC] =	sst s0  }
0x9: {  	[smem:$0x3FAD] =	sst s1  }
0xa: {  	[smem:$0x3FAE] =	sst s2  }
0xb: {  	[smem:$0x3FAF] =	sst s3  }
0xc: {  	[smem:$0x3FB0] =	sst s4  }
0xd: {  	[smem:$0x3FB1] =	sst s5  }
0xe: {  	[smem:$0x3FB2] =	sst s6  }
0xf: {  	[smem:$0x3FB3] =	sst s7  }
0x10: {  	[smem:$0x3FB4] =	sst s8  }
0x11: {  	[smem:$0x3FB5] =	sst s9;
	s0 =	simm.s32 @!p0 $0x0  }
0x12: {  	s1 =	sld [smem:$0x3F9B];
	s0 =	simm.s32 @p0 $0x1  }
0x13: {  	[smem:$0x3FB6] =	sst s0;
	s0 =	simm.s32 @!p1 $0x0  }
0x14: {  	s2 =	sld [smem:$0x3F9A];
	s0 =	simm.s32 @p1 $0x1  }
0x15: {  	[smem:$0x3FB7] =	sst s0;
	s0 =	simm.s32 @!p2 $0x0  }
0x16: {  	s3 =	sld [smem:$0x3FDB];
	s0 =	simm.s32 @p2 $0x1  }
0x17: {  	s4 =	simm.s32 $0x1BF5;
	[smem:$0x3FB9] =	sst s0  }
0x18: {  	s0 =	sld [smem:$0x3F9C];
	_ =	swait.ge [sflag:s4], $0x0  }
0x19: {  	s7 =	sld [smem:$0x3F9D]  }
0x1a: {  	s8 =	sadd.s32 $0xFFFFE003, lr  }
0x1b: {  	s9 =	sadd.s32 $0xFFFFFEF7, lr;
	s5 =	simm.s32 $0xFFFFFFFF;
	p2 =	slt.u32 s8, $0xFFFFF086  }
0x1c: {  	p1 =	slt.u32 s9, $0xF7A;
	s5 =	simm.s32 @!p2 $0x0  }
0x1d: {  	s5 =	simm.s32 @p1 $0x1;
	p0 =	seq.s32 s7, s2  }
0x1e: {  	s7 =	smul.u32 @!p0 $0xF7A, s2;
	p2 =	seq.s32 @!p0 s5, $0x0  }
0x1f: {  	s9 =	smul.u32 $0xF7A, s1;
	s8 =	simm.s32 @!p0 $0x1BF5;
	p2 =	por !p2, p0  }
0x20: {  	[sflag:s8] =	ssyncset.s32 @!p0 $0xFFFFF086;
	s6 =	sadd.s32 @!p0 s3, s7;
	s7 =	simm.s32 @!p0 $0x108  }
0x21: {  	s3 =	sadd.s32 s3, s9;
	s6 =	sadd.s32 @!p0 $0x88, s6;
	s7 =	simm.s32 @p2 $0x1082  }
0x22: {  	[simem:s7], [sflag:s8] =	dma.local @!p0 [hbm:s6], $0xF7A  }
0x23: {  	s9 =	sor.u32 $0xD0000000, s2;
	s6 =	simm.s32 $0x108;
	_ =	swait.ge @!p0 [sflag:s8], $0x0  }
0x24: {  	s3 =	sadd.s32 $0x88, s3;
	s6 =	simm.s32 @!p1 $0x1082;
	[sflag:s4] =	ssyncset.s32 $0xFFFFF086  }
0x25: {  	[simem:s6], [sflag:s4] =	dma.local [hbm:s3], $0xF7A  }
0x26: {  	[smem:$0x3F9D] =	sst s1;
	(tag) =	ssettag s2;
	_ =	strace s9  }
0x27: {  	s1 =	sld [smem:$0x3FAD]  }
0x28: {  	s2 =	sld [smem:$0x3FAE]  }
0x29: {  	s4 =	sld [smem:$0x3FB0]  }
0x2a: {  	p0 =	seq.s32 s5, $0x0;
	s5 =	sld [smem:$0x3FB1]  }
0x2b: {  	s6 =	sld [smem:$0x3FB2]  }
0x2c: {  	s7 =	sld [smem:$0x3FB3]  }
0x2d: {  	s3 =	simm.s32 $0x108;
	s8 =	sld [smem:$0x3FB4]  }
0x2e: {  	s3 =	simm.s32 @!p0 $0x1082;
	s9 =	sld [smem:$0x3FB5]  }
0x2f: {  	lr =	sadd.s32 s0, s3;
	s0 =	sld [smem:$0x3FAC]  }
0x30: {  	s3 =	sld [smem:$0x3FAF]  }
0x31: {  	[smem:$0x3FB8] =	sst s10  }
0x32: {  	s10 =	sld [smem:$0x3FB6];
	_ =	sdelay $0x3  }
0x33: {  	p0 =	seq.s32 s10, $0x1;
	s10 =	sld [smem:$0x3FB8];
	_ =	sdelay $0x3  }
0x34: {  	[smem:$0x3FB8] =	sst s10  }
0x35: {  	s10 =	sld [smem:$0x3FB7];
	_ =	sdelay $0x3  }
0x36: {  	p1 =	seq.s32 s10, $0x1;
	s10 =	sld [smem:$0x3FB8];
	_ =	sdelay $0x3  }
0x37: {  	[smem:$0x3FB8] =	sst s10  }
0x38: {  	s10 =	sld [smem:$0x3FB9]  }
0x39: {  	_ = 	snop;
	(pc) =	sbr.ind lr, $3  }
0x3a: {  	_ = 	snop  }
0x3b: {  	_ = 	snop  }
0x3c: {  	p2 =	seq.s32 s10, $0x1;
	s10 =	sld [smem:$0x3FB8]  }
0x3d: {  	_ =	shalt  }
0x3e: {  	_ =	shalt  }
0x3f: {  	_ =	shalt  }
0x40: {  	_ =	shalt  }
0x41: {  	_ =	shalt  }
0x42: {  	_ =	shalt  }
0x43: {  	_ =	shalt  }
0x44: {  	_ =	shalt  }
0x45: {  	_ =	shalt  }
0x46: {  	_ =	shalt  }
0x47: {  	_ =	shalt  }
0x48: {  	_ =	shalt  }
0x49: {  	_ =	shalt  }
0x4a: {  	_ =	shalt  }
0x4b: {  	_ =	shalt  }
0x4c: {  	_ =	shalt  }
0x4d: {  	_ =	shalt  }
0x4e: {  	_ =	shalt  }
0x4f: {  	_ =	shalt  }
0x50: {  	_ =	shalt  }
0x51: {  	_ =	shalt  }
0x52: {  	_ =	shalt  }
0x53: {  	_ =	shalt  }
0x54: {  	_ =	shalt  }
0x55: {  	_ =	shalt  }
0x56: {  	_ =	shalt  }
0x57: {  	_ =	shalt  }
0x58: {  	_ =	shalt  }
0x59: {  	_ =	shalt  }
0x5a: {  	_ =	shalt  }
0x5b: {  	_ =	shalt  }
0x5c: {  	_ =	shalt  }
0x5d: {  	_ =	shalt  }
0x5e: {  	_ =	shalt  }
0x5f: {  	_ =	shalt  }
0x60: {  	_ =	shalt  }
0x61: {  	_ =	shalt  }
0x62: {  	_ =	shalt  }
0x63: {  	_ =	shalt  }
0x64: {  	_ =	shalt  }
0x65: {  	_ =	shalt  }
0x66: {  	_ =	shalt  }
0x67: {  	_ =	shalt  }
0x68: {  	_ =	shalt  }
0x69: {  	_ =	shalt  }
0x6a: {  	_ =	shalt  }
0x6b: {  	_ =	shalt  }
0x6c: {  	_ =	shalt  }
0x6d: {  	_ =	shalt  }
0x6e: {  	_ =	shalt  }
0x6f: {  	_ =	shalt  }
0x70: {  	_ =	shalt  }
0x71: {  	_ =	shalt  }
0x72: {  	_ =	shalt  }
0x73: {  	_ =	shalt  }
0x74: {  	_ =	shalt  }
0x75: {  	_ =	shalt  }
0x76: {  	_ =	shalt  }
0x77: {  	_ =	shalt  }
0x78: {  	_ =	shalt  }
0x79: {  	_ =	shalt  }
0x7a: {  	_ =	shalt  }
0x7b: {  	_ =	shalt  }
0x7c: {  	_ =	shalt  }
0x7d: {  	_ =	shalt  }
0x7e: {  	_ =	shalt  }
0x7f: {  	_ =	shalt  }
0x80: {  	_ =	shalt  }
0x81: {  	_ =	shalt  }
0x82: {  	_ =	shalt  }
0x83: {  	_ =	shalt  }
0x84: {  	_ =	shalt  }
0x85: {  	_ =	shalt  }
0x86: {  	_ =	shalt  }
0x87: {  	_ =	shalt  }
.Lfunc_end0:
.L_simem_size_0:
called_computation.1_lowered:
.L_overlay_start_0:
0x88: {  	s2 =	sld [smem:$0x3FD9]  }
0x89: {  	s3 =	sld [smem:$0x3FFE];
	_ =	sdelay $0x1  }
0x8a: {  	s1 =	srdreg.scid  }
0x8b: {  	s0 =	sand.u32 $0x1, s1  }
0x8c: {  	s14 =	sshll.u32 s0, $0xA;
	s2 =	sadd.s32 s3, s2  }
0x8d: {  	s2 =	sadd.s32 s2, s14  }
0x8e: {  	[smem:$0x3FC4] =	sst s2  }
0x8f: {  	_ = 	snop  }
0x90: {  	s2 =	sld [smem:$0x3FD0];
	_ =	sdelay $0x2  }
0x91: {  	s15 =	simm.s32 $0xA;
	s4 =	simm.s32 $0x10  }
0x92: {  	[smem:s4], [sflag:s15] =	dma.local [hbm:s2], $0x1  }
0x93: {  	_ =	swait.eq [sflag:s15], $0x1  }
0x94: {  	[sflag:s15] =	ssyncset.done $0x0  }
0x95: {  	s16 =	sld [smem:$0x10];
	[sflag:s15] =	ssyncadd.s32 $0xFFFFFFFF  }
0x96: {  	s17 =	sld [smem:$0x12];
	(tm) =	ssettm $0x1  }
0x97: {  	s18 =	sld [smem:$0x3FFB];
	_ =	sdelay $0x3  }
0x98: {  	_ =	strace s18  }
0x99: {  	s4 =	sld [smem:$0x3FFC];
	_ =	sdelay $0x3  }
0x9a: {  	_ =	strace s4  }
0x9b: {  	s4 =	sld [smem:$0x3FFD];
	_ =	sdelay $0x3  }
0x9c: {  	_ =	strace s4  }
0x9d: {  	_ =	strace $0x8FFFFFFF  }
0x9e: {  	s19 =	sld [smem:$0x3FDB];
	_ =	sdelay $0x1  }
0x9f: {  	s5 =	simm.s32 $_scs_section_size  }
0xa0: {  	s6 =	simm.s32 $_size__tile_overlayer_lowered;
	s7 =	simm.s32 $_tile_overlayer_lowered  }
0xa1: {  	s22 =	simm.s32 $0x1BFF;
	s21 =	sshll.u32 s7, $0x1;
	s4 =	sadd.s32 s5, s19  }
0xa2: {  	s8 =	simm.s32 $0x0;
	s20 =	sshll.u32 s6, $0x1;
	s6 =	sadd.s32 s21, s4  }
0xa3: {  	[timem:s8], [sflag:s22] =	dma.local [hbm:s6], s20  }
0xa4: {  	_ =	swait.ge [sflag:s22], s20  }
0xa5: {  	s5 =	ssub.s32 $0x0, s20;
	[sflag:s22] =	ssyncset.done $0x0  }
0xa6: {  	[sflag:s22] =	ssyncadd.s32 s5;
	_ =	sdelay $0x1  }
0xa7: {  	s23 =	simm.s32 $0x1B8B  }
0xa8: {  	_ =	swait.ge [sflag:s23], $0x1  }
0xa9: {  	[sflag:s23] =	ssyncset.done $0x0  }
0xaa: {  	s25 =	simm.s32 $0x1B8E;
	s24 =	sld [smem:$0x3FFE];
	[sflag:s23] =	ssyncadd.s32 $0xFFFFFFFF  }
0xab: {  	s26 =	simm.s32 $execute0_lowered;
	[smem:$0x3FD2] =	sst s25  }
0xac: {  	s6 =	sshll.u32 s26, $0x1;
	_ =	strace $0x80000046;
	[dreg:$0x1] =	wrdreg $0xFFFFFFFF  }
0xad: {  	s28 =	simm.s32 $_size_execute0_lowered;
	s4 =	sadd.s32 s4, s6;
	[dreg:$0x0] =	wrdreg $0x0  }
0xae: {  	s6 =	sshll.u32 s28, $0x1;
	[dreg:$0x2] =	wrdreg s4  }
0xaf: {  	[dreg:$0x3] =	wrdreg s6  }
0xb0: {  	[dreg:$0x4] =	wrdreg $0xC0  }
0xb1: {  	_ =	task [dreg:s8], $0x5FFFF  }
0xb2: {  	[dreg:$0x1] =	wrdreg $0xFFFFFFFF  }
0xb3: {  	[dreg:$0x0] =	wrdreg $0x60  }
0xb4: {  	[dreg:$0x2] =	wrdreg s17  }
0xb5: {  	[dreg:$0x3] =	wrdreg s24  }
0xb6: {  	[dreg:$0x4] =	wrdreg s16  }
0xb7: {  	[dreg:$0x5] =	wrdreg $0x9  }
0xb8: {  	_ =	task.clear_ibuf [dreg:s8], $0x6FFFF;
	_ =	strace $0x90000046  }
0xb9: {  	s29 =	simm.s32 $0x9;
	_ =	strace $0x80000048  }
0xba: {  	_ =	swait.ge [sflag:s29], $0x1  }
0xbb: {  	[sflag:s29] =	ssyncadd.s32 $0xFFFFFFFF  }
0xbc: {  	_ =	strace $0x90000048  }
0xbd: {  	_ =	sfence  }
0xbe: {  	s30 =	sld [smem:$0x0];
	_ =	sdelay $0x2  }
0xbf: {  	s31 =	sshll.u32 s1, $0xD;
	s1 =	sshrl.u32 s1, $0x2  }
0xc0: {  	s3 =	sand.u32 $0x4000, s31;
	s1 =	sadd.s32 s1, s30  }
0xc1: {  	s0 =	sor.u32 s3, s0;
	s1 =	sshll.u32 s1, $0x11  }
0xc2: {  	s0 =	sor.u32 s1, s0  }
0xc3: {  	s0 =	sadd.s32 $0x8F2B, s0  }
0xc4: {  	[sflag:s0] =	ssyncadd.remote.s32 $0x1  }
0xc5: {  	_ =	sfence.sel $0xFFFF  }
0xc6: {  	[dreg:$0x0] =	wrdreg $0xFFFFFFFF;
	(pc) =	sbr.abs _section_cstart, $3  }
0xc7: {  	[dreg:$0x1] =	wrdreg $0xFFFFFFFF  }
0xc8: {  	_ =	task.clear_ibuf [dreg:s8], $0x2FFFF;
	_ =	strace $0x9FFFFFFF  }
0xc9: {  	(tm) =	ssettm $0x7FFFFFFF  }
tec
execute0_lowered:
.L_overlay_start_1:
0x0: {  	(tag) =	ssettag $0x1  }
0x1: {  	s5 =	rddreg [dreg:$0x0]  }
0x2: {  	s4 =	rddreg [dreg:$0x1]  }
0x3: {  	s2 =	rddreg [dreg:$0x2]  }
0x4: {  	s0 =	rddreg [dreg:$0x3]  }
0x5: {  	s6 =	srdreg.scid;
	s1 =	stileid.u32  }
0x6: {  	s3 =	simm.s32 $0x0;
	s19 =	simm.s32 $0x280;
	s20 =	simm.s32 $0x300  }
0x7: {  	s21 =	simm.s32 $0xC500;
	s23 =	simm.s32 $0x380;
	[smem:$0x7FF] =	sst s3  }
0x8: {  	s25 =	simm.s32 $0xE500;
	_ =	strace $0x80000047;
	[dreg:$0x7] =	wrdreg s19  }
0x9: {  	s26 =	simm.s32 $0x400;
	s28 =	simm.s32 $0x10500;
	[dreg:$0x8] =	wrdreg s20  }
0xa: {  	s29 =	simm.s32 $0x480;
	s30 =	simm.s32 $0x12500;
	[dreg:$0x9] =	wrdreg s21  }
0xb: {  	s31 =	simm.s32 $0x500;
	s14 =	simm.s32 $0x3;
	[dreg:$0xa] =	wrdreg s23  }
0xc: {  	s7 =	sand.u32 $0x1, s6;
	s15 =	smul.u32 $0x640, s1;
	[dreg:$0xb] =	wrdreg s25  }
0xd: {  	s8 =	sshll.u32 s1, $0x1;
	s4 =	sadd.s32 $0xE00, s4;
	[dreg:$0xc] =	wrdreg s26  }
0xe: {  	s12 =	sadd.s32 $0x50, s5;
	s22 =	smul.u32 $0x190000, s1;
	[dreg:$0xd] =	wrdreg s28  }
0xf: {  	s9 =	smul.u32 $0x320, s7;
	s8 =	sor.u32 s7, s8;
	[dreg:$0xe] =	wrdreg s29  }
0x10: {  	s10 =	ssub.s32 $0x2, s7;
	s24 =	smul.u32 $0xC8000, s7;
	[dreg:$0xf] =	wrdreg s30  }
0x11: {  	[dreg:$0x10] =	wrdreg s31;
	s11 =	smul.u32 $0x3200, s8;
	s16 =	sshrl.u32 s10, $0x1  }
0x12: {  	s8 =	smul.u32 $0x640000, s8;
	s6 =	sadd.s32 s9, s15;
	s9 =	ssub.s32 s10, s16  }
0x13: {  	s10 =	simm.s32 $0x80;
	s15 =	simm.s32 $0x4;
	s16 =	simm.s32 $0x0  }
0x14: {  	s6 =	sshll.u32 s6, $0x4;
	s17 =	sadd.s32 s11, s12;
	s8 =	sshrl.u32 s8, $0x3  }
0x15: {  	s7 =	smax.u32 s9, $0x1;
	s9 =	simm.s32 $0x6;
	s13 =	sadd.s32 s6, s5  }
0x16: {  	[dreg:$0x4] =	wrdreg s17;
	s5 =	sadd.s32 s5, s11;
	s6 =	sadd.s32 s6, s12  }
0x17: {  	s8 =	sadd.s32 s2, s8;
	s11 =	simm.s32 $0xA500;
	s12 =	simm.s32 $0x1  }
0x18: {  	s18 =	sadd.s32 $0xA0, s13;
	[dreg:$0x6] =	wrdreg s6;
	s6 =	sadd.s32 $0xC6C00, s8  }
0x19: {  	s8 =	sadd.s32 s24, s22;
	s13 =	simm.s32 $0x2;
	[dreg:$0x5] =	wrdreg s18  }
.LBB2_1:
0x1a: {  	[tilespmem:s3], [sflag:$0x5] =	stream.linear.gather [hbm4b:s5+s3], $0x280, $0x38;
	[tilespmem:$0x14500] =	vst v63  }
0x1b: {  	p0 =	por $0x1, $0x1  }
0x1c: {  	s17 =	simm.s32 @p0 $0x5  }
0x1d: {  	_ =	swait.ge @p0 [sflag:s17], $0x280  }
0x1e: {  	s18 =	simm.s32 @p0 $0x500;
	[sflag:s17] =	ssyncset.done @p0 $0x0  }
0x1f: {  	s19 =	simm.s32 @p0 $0x80;
	s20 =	simm.s32 @p0 $0x0;
	[sflag:s17] =	ssyncadd.s32 @p0 $0xFFFFFD80  }
0x20: {  	[tilespmem:s18], [sflag:$0x1] =	stream.indirect.gather @p0 [hbm4b:s4+s19], $0x40, s20, s19, $0xb8;
	[tilespmem:$0x14500] =	vst v63  }
0x21: {  	s17 =	simm.s32 @p0 $0x2500  }
0x22: {  	[tilespmem:s17], [sflag:$0x1] =	stream.indirect.gather @p0 [hbm4b:s4+s19], $0x40, s19, s19, $0xb8;
	[tilespmem:$0x14500] =	vst v63  }
0x23: {  	s18 =	simm.s32 @p0 $0x4500;
	s17 =	simm.s32 @p0 $0x100  }
0x24: {  	[tilespmem:s18], [sflag:$0x1] =	stream.indirect.gather @p0 [hbm4b:s4+s19], $0x40, s17, s19, $0xb8;
	[tilespmem:$0x14500] =	vst v63  }
0x25: {  	s17 =	simm.s32 @p0 $0x180;
	s18 =	simm.s32 @p0 $0x6500  }
0x26: {  	[tilespmem:s18], [sflag:$0x1] =	stream.indirect.gather @p0 [hbm4b:s4+s19], $0x40, s17, s19, $0xb8;
	[tilespmem:$0x14500] =	vst v63  }
0x27: {  	s17 =	simm.s32 @p0 $0x200;
	s18 =	simm.s32 @p0 $0x8500  }
0x28: {  	[tilespmem:s18], [sflag:$0x1] =	stream.indirect.gather @p0 [hbm4b:s4+s19], $0x40, s17, s19, $0xb8;
	[tilespmem:$0x14500] =	vst v63  }
0x29: {  	s21 =	rddreg [dreg:$0x4];
	s17 =	simm.s32 @p0 $0x280;
	s18 =	simm.s32 @!p0 $0x3  }
0x2a: {  	[tilespmem:s17], [sflag:$0x6] =	stream.linear.gather @p0 [hbm4b:s21+s20], $0x280, $0x38;
	[tilespmem:$0x14500] =	vst v63  }
0x2b: {  	_ =	swait.ge @!p0 [sflag:s18], $0xA000  }
0x2c: {  	[sflag:s18] =	ssyncset.done @!p0 $0x0  }
0x2d: {  	s17 =	simm.s32 @!p0 $0x5;
	[sflag:s18] =	ssyncadd.s32 @!p0 $0xFFFF6000  }
0x2e: {  	_ =	swait.ge @!p0 [sflag:s17], $0x280  }
0x2f: {  	s19 =	simm.s32 @!p0 $0x0;
	[sflag:s17] =	ssyncset.done @!p0 $0x0  }
0x30: {  	s18 =	simm.s32 @!p0 $0x500;
	[sflag:s17] =	ssyncadd.s32 @!p0 $0xFFFFFD80;
	s17 =	simm.s32 @!p0 $0x80  }
0x31: {  	[tilespmem:s18], [sflag:$0x1] =	stream.indirect.gather @!p0 [hbm4b:s4+s17], $0x40, s19, s17, $0xb8;
	[tilespmem:$0x14500] =	vst v63  }
0x32: {  	s18 =	simm.s32 @!p0 $0x2500  }
0x33: {  	[tilespmem:s18], [sflag:$0x1] =	stream.indirect.gather @!p0 [hbm4b:s4+s17], $0x40, s17, s17, $0xb8;
	[tilespmem:$0x14500] =	vst v63  }
0x34: {  	s20 =	simm.s32 @!p0 $0x4500;
	s18 =	simm.s32 @!p0 $0x100  }
0x35: {  	[tilespmem:s20], [sflag:$0x1] =	stream.indirect.gather @!p0 [hbm4b:s4+s17], $0x40, s18, s17, $0xb8;
	[tilespmem:$0x14500] =	vst v63  }
0x36: {  	s18 =	simm.s32 @!p0 $0x180;
	s20 =	simm.s32 @!p0 $0x6500  }
0x37: {  	[tilespmem:s20], [sflag:$0x1] =	stream.indirect.gather @!p0 [hbm4b:s4+s17], $0x40, s18, s17, $0xb8;
	[tilespmem:$0x14500] =	vst v63  }
0x38: {  	s21 =	simm.s32 @!p0 $0x2;
	s18 =	simm.s32 @!p0 $0x200;
	s20 =	simm.s32 @!p0 $0x8500  }
0x39: {  	[tilespmem:s20], [sflag:$0x1] =	stream.indirect.gather @!p0 [hbm4b:s4+s17], $0x40, s18, s17, $0xb8;
	[tilespmem:$0x14500] =	vst v63  }
0x3a: {  	s18 =	sadd.s32 @!p0 $0x1FFFEC00, s8;
	_ =	swait.ge @!p0 [sflag:s21], $0xA000  }
0x3b: {  	s20 =	simm.s32 @!p0 $0x280;
	s17 =	rddreg [dreg:$0x6];
	[sflag:s21] =	ssyncset.done @!p0 $0x0  }
0x3c: {  	s18 =	sand.u32 @!p0 $0x1FFFFC00, s18;
	[sflag:s21] =	ssyncadd.s32 @!p0 $0xFFFF6000;
	s17 =	sadd.s32 @!p0 $0x0, s17  }
0x3d: {  	[tilespmem:s20], [sflag:$0x6] =	stream.linear.gather @!p0 [hbm4b:s17+s19], $0x280, $0x38;
	[tilespmem:$0x14500] =	vst v63  }
0x3e: {  	s17 =	sadd.s32 @!p0 s2, s18;
	s18 =	simm.s32 @!p0 $0xA500;
	s20 =	simm.s32 @!p0 $0x4  }
0x3f: {  	[hbm4b:s17+s19] =	stream.linear.scatter @!p0 [tilespmem:s18], [sflag:$0x4], $0xA000, $0x38;
	[tilespmem:$0x14500] =	vst v63  }
0x40: {  	_ =	swait.ge @!p0 [sflag:s20], $0xA000  }
0x41: {  	[sflag:s20] =	ssyncset.done @!p0 $0x0  }
0x42: {  	[sflag:s20] =	ssyncadd.s32 @!p0 $0xFFFF6000  }
0x43: {  	_ =	swait.ge [sflag:s9], $0x280  }
0x44: {  	s23 =	rddreg [dreg:$0xf]  }
0x45: {  	s24 =	rddreg [dreg:$0x8]  }
0x46: {  	s25 =	rddreg [dreg:$0x9]  }
0x47: {  	s26 =	rddreg [dreg:$0x7];
	[sflag:s9] =	ssyncset.done $0x0  }
0x48: {  	s28 =	rddreg [dreg:$0xb];
	[sflag:s9] =	ssyncadd.s32 $0xFFFFFD80  }
0x49: {  	[tilespmem:s11], [sflag:$0x2] =	stream.indirect.gather [hbm4b:s4+s10], $0x40, s26, s10, $0xb8;
	[tilespmem:$0x14500] =	vst v63  }
0x4a: {  	s22 =	rddreg [dreg:$0xd]  }
0x4b: {  	[tilespmem:s25], [sflag:$0x2] =	stream.indirect.gather [hbm4b:s4+s10], $0x40, s24, s10, $0xb8;
	[tilespmem:$0x14500] =	vst v63  }
0x4c: {  	s29 =	rddreg [dreg:$0xa]  }
0x4d: {  	[tilespmem:s28], [sflag:$0x2] =	stream.indirect.gather [hbm4b:s4+s10], $0x40, s29, s10, $0xb8;
	[tilespmem:$0x14500] =	vst v63  }
0x4e: {  	s30 =	rddreg [dreg:$0xc]  }
0x4f: {  	[tilespmem:s22], [sflag:$0x2] =	stream.indirect.gather [hbm4b:s4+s10], $0x40, s30, s10, $0xb8;
	[tilespmem:$0x14500] =	vst v63  }
0x50: {  	p6 =	por $0x0, $0x0;
	s17 =	simm.s32 $0xA0;
	s31 =	rddreg [dreg:$0xe]  }
0x51: {  	[tilespmem:s23], [sflag:$0x2] =	stream.indirect.gather [hbm4b:s4+s10], $0x40, s31, s10, $0xb8;
	[tilespmem:$0x14500] =	vst v63  }
0x52: {  	s18 =	smov.u32 s8;
	s19 =	simm.s32 $0x0;
	_ =	swait.ge [sflag:s12], $0xA000  }
0x53: {  	p0 =	por p6, p6;
	s20 =	sadd.s32 s8, s2;
	[sflag:s12] =	ssyncset.done $0x0  }
0x54: {  	s22 =	simm.s32 @!p0 $0x0;
	s21 =	rddreg [dreg:$0x5];
	[sflag:s12] =	ssyncadd.s32 $0xFFFF6000  }
.LBB2_2:
0x55: {  	s23 =	smov.u32 s17  }
0x56: {  	s19 =	sadd.s32 @!p0 s19, s21;
	p2 =	seq.s32 s23, $0x0  }
0x57: {  	[tilespmem:s22], [sflag:$0x5] =	stream.linear.gather @!p0 [hbm4b:s19+s22], $0x280, $0x38;
	[tilespmem:$0x14500] =	vst v63  }
0x58: {  	s18 =	sadd.s32 $0x2800, s18;
	s31 =	rddreg [dreg:$0x10];
	s19 =	simm.s32 @p2 $0x5  }
0x59: {  	[hbm4b:s20+s3] =	stream.linear.scatter [tilespmem:s31], [sflag:$0x3], $0xA000, $0x38;
	[tilespmem:$0x14500] =	vst v63  }
0x5a: {  	s22 =	sadd.s32 @!p2 $0x1FFFEC00, s18;
	_ =	swait.ge @p2 [sflag:s19], $0x280  }
0x5b: {  	s21 =	simm.s32 @p2 $0x500;
	s24 =	simm.s32 @p2 $0x0;
	[sflag:s19] =	ssyncset.done @p2 $0x0  }
0x5c: {  	s20 =	sand.u32 @!p2 $0x1FFFFC00, s22;
	s22 =	simm.s32 @p2 $0x80;
	[sflag:s19] =	ssyncadd.s32 @p2 $0xFFFFFD80  }
0x5d: {  	[tilespmem:s21], [sflag:$0x1] =	stream.indirect.gather @p2 [hbm4b:s4+s22], $0x40, s24, s22, $0xb8;
	[tilespmem:$0x14500] =	vst v63  }
0x5e: {  	s21 =	simm.s32 @p2 $0x2500  }
0x5f: {  	[tilespmem:s21], [sflag:$0x1] =	stream.indirect.gather @p2 [hbm4b:s4+s22], $0x40, s22, s22, $0xb8;
	[tilespmem:$0x14500] =	vst v63  }
0x60: {  	s19 =	smov.u32 s23;
	s23 =	simm.s32 @p2 $0x4500;
	s21 =	simm.s32 @p2 $0x100  }
0x61: {  	[tilespmem:s23], [sflag:$0x1] =	stream.indirect.gather @p2 [hbm4b:s4+s22], $0x40, s21, s22, $0xb8;
	[tilespmem:$0x14500] =	vst v63  }
0x62: {  	s21 =	simm.s32 @p2 $0x180;
	s23 =	simm.s32 @p2 $0x6500  }
0x63: {  	[tilespmem:s23], [sflag:$0x1] =	stream.indirect.gather @p2 [hbm4b:s4+s22], $0x40, s21, s22, $0xb8;
	[tilespmem:$0x14500] =	vst v63  }
0x64: {  	s21 =	simm.s32 @p2 $0x200;
	s23 =	simm.s32 @p2 $0x8500  }
0x65: {  	[tilespmem:s23], [sflag:$0x1] =	stream.indirect.gather @p2 [hbm4b:s4+s22], $0x40, s21, s22, $0xb8;
	[tilespmem:$0x14500] =	vst v63  }
0x66: {  	s25 =	rddreg [dreg:$0x4];
	s21 =	simm.s32 @p2 $0x280;
	s22 =	simm.s32 @!p2 $0x3  }
0x67: {  	[tilespmem:s21], [sflag:$0x6] =	stream.linear.gather @p2 [hbm4b:s25+s24], $0x280, $0x38;
	[tilespmem:$0x14500] =	vst v63  }
0x68: {  	_ =	swait.ge @!p2 [sflag:s22], $0xA000  }
0x69: {  	[sflag:s22] =	ssyncset.done @!p2 $0x0  }
0x6a: {  	s21 =	simm.s32 @!p2 $0x5;
	[sflag:s22] =	ssyncadd.s32 @!p2 $0xFFFF6000  }
0x6b: {  	_ =	swait.ge @!p2 [sflag:s21], $0x280  }
0x6c: {  	s23 =	simm.s32 @!p2 $0x0;
	[sflag:s21] =	ssyncset.done @!p2 $0x0  }
0x6d: {  	s22 =	simm.s32 @!p2 $0x500;
	[sflag:s21] =	ssyncadd.s32 @!p2 $0xFFFFFD80;
	s21 =	simm.s32 @!p2 $0x80  }
0x6e: {  	[tilespmem:s22], [sflag:$0x1] =	stream.indirect.gather @!p2 [hbm4b:s4+s21], $0x40, s23, s21, $0xb8;
	[tilespmem:$0x14500] =	vst v63  }
0x6f: {  	s22 =	simm.s32 @!p2 $0x2500  }
0x70: {  	[tilespmem:s22], [sflag:$0x1] =	stream.indirect.gather @!p2 [hbm4b:s4+s21], $0x40, s21, s21, $0xb8;
	[tilespmem:$0x14500] =	vst v63  }
0x71: {  	s24 =	simm.s32 @!p2 $0x4500;
	s22 =	simm.s32 @!p2 $0x100  }
0x72: {  	[tilespmem:s24], [sflag:$0x1] =	stream.indirect.gather @!p2 [hbm4b:s4+s21], $0x40, s22, s21, $0xb8;
	[tilespmem:$0x14500] =	vst v63  }
0x73: {  	s22 =	simm.s32 @!p2 $0x180;
	s24 =	simm.s32 @!p2 $0x6500  }
0x74: {  	[tilespmem:s24], [sflag:$0x1] =	stream.indirect.gather @!p2 [hbm4b:s4+s21], $0x40, s22, s21, $0xb8;
	[tilespmem:$0x14500] =	vst v63  }
0x75: {  	s25 =	simm.s32 @!p2 $0x2;
	s22 =	simm.s32 @!p2 $0x200;
	s24 =	simm.s32 @!p2 $0x8500  }
0x76: {  	[tilespmem:s24], [sflag:$0x1] =	stream.indirect.gather @!p2 [hbm4b:s4+s21], $0x40, s22, s21, $0xb8;
	[tilespmem:$0x14500] =	vst v63  }
0x77: {  	_ =	swait.ge @!p2 [sflag:s25], $0xA000  }
0x78: {  	s21 =	rddreg [dreg:$0x6];
	[sflag:s25] =	ssyncset.done @!p2 $0x0  }
0x79: {  	s22 =	simm.s32 @!p2 $0x280;
	[sflag:s25] =	ssyncadd.s32 @!p2 $0xFFFF6000;
	s21 =	sadd.s32 @!p2 s19, s21  }
0x7a: {  	[tilespmem:s22], [sflag:$0x6] =	stream.linear.gather @!p2 [hbm4b:s21+s23], $0x280, $0x38;
	[tilespmem:$0x14500] =	vst v63  }
0x7b: {  	s20 =	sadd.s32 @!p2 s2, s20;
	s21 =	simm.s32 @!p2 $0xA500;
	s22 =	simm.s32 @!p2 $0x4  }
0x7c: {  	[hbm4b:s20+s23] =	stream.linear.scatter @!p2 [tilespmem:s21], [sflag:$0x4], $0xA000, $0x38;
	[tilespmem:$0x14500] =	vst v63  }
0x7d: {  	_ =	swait.ge @!p2 [sflag:s22], $0xA000  }
0x7e: {  	[sflag:s22] =	ssyncset.done @!p2 $0x0  }
0x7f: {  	[sflag:s22] =	ssyncadd.s32 @!p2 $0xFFFF6000  }
0x80: {  	_ =	swait.ge [sflag:s9], $0x280  }
0x81: {  	s20 =	rddreg [dreg:$0xf]  }
0x82: {  	s22 =	rddreg [dreg:$0x8]  }
0x83: {  	s24 =	rddreg [dreg:$0x9]  }
0x84: {  	[sflag:s9] =	ssyncset.done $0x0;
	s25 =	rddreg [dreg:$0x7]  }
0x85: {  	s26 =	rddreg [dreg:$0xb];
	[sflag:s9] =	ssyncadd.s32 $0xFFFFFD80  }
0x86: {  	[tilespmem:s11], [sflag:$0x2] =	stream.indirect.gather [hbm4b:s4+s10], $0x40, s25, s10, $0xb8;
	[tilespmem:$0x14500] =	vst v63  }
0x87: {  	s28 =	rddreg [dreg:$0xd]  }
0x88: {  	[tilespmem:s24], [sflag:$0x2] =	stream.indirect.gather [hbm4b:s4+s10], $0x40, s22, s10, $0xb8;
	[tilespmem:$0x14500] =	vst v63  }
0x89: {  	p3 =	seq.s32 s17, $0x3160;
	s17 =	sadd.s32 $0xA0, s17;
	s29 =	rddreg [dreg:$0xa]  }
0x8a: {  	[tilespmem:s26], [sflag:$0x2] =	stream.indirect.gather [hbm4b:s4+s10], $0x40, s29, s10, $0xb8;
	[tilespmem:$0x14500] =	vst v63  }
0x8b: {  	p1 =	sne.s32 s17, $0x3200;
	s30 =	rddreg [dreg:$0xc]  }
0x8c: {  	[tilespmem:s28], [sflag:$0x2] =	stream.indirect.gather [hbm4b:s4+s10], $0x40, s30, s10, $0xb8;
	[tilespmem:$0x14500] =	vst v63  }
.Ltmp0:
0x8d: {  	s31 =	rddreg [dreg:$0xe];
	(pc) =	sbr.rel @p1 .LBB2_2-.Ltmp0, $4  }
0x8e: {  	[tilespmem:s20], [sflag:$0x2] =	stream.indirect.gather [hbm4b:s4+s10], $0x40, s31, s10, $0xb8;
	[tilespmem:$0x14500] =	vst v63  }
0x8f: {  	p0 =	por p3, p3;
	_ =	swait.ge [sflag:s12], $0xA000  }
0x90: {  	s22 =	simm.s32 @!p0 $0x0;
	[sflag:s12] =	ssyncset.done $0x0  }
0x91: {  	s20 =	sadd.s32 s18, s2;
	s21 =	rddreg [dreg:$0x5];
	[sflag:s12] =	ssyncadd.s32 $0xFFFF6000  }
0x92: {  	s17 =	sadd.s32 @!p0 s19, s21  }
0x93: {  	[tilespmem:s22], [sflag:$0x5] =	stream.linear.gather @!p0 [hbm4b:s17+s22], $0x280, $0x38;
	[tilespmem:$0x14500] =	vst v63  }
0x94: {  	s18 =	rddreg [dreg:$0x10]  }
0x95: {  	[hbm4b:s20+s3] =	stream.linear.scatter [tilespmem:s18], [sflag:$0x3], $0xA000, $0x38;
	[tilespmem:$0x14500] =	vst v63  }
0x96: {  	_ =	swait.ge [sflag:s13], $0xA000  }
0x97: {  	[sflag:s13] =	ssyncset.done $0x0  }
0x98: {  	s16 =	sadd.s32 $0x1, s16;
	[sflag:s13] =	ssyncadd.s32 $0xFFFF6000  }
0x99: {  	[hbm4b:s6+s3] =	stream.linear.scatter [tilespmem:s11], [sflag:$0x4], $0xA000, $0x38;
	[tilespmem:$0x14500] =	vst v63  }
0x9a: {  	p0 =	sne.s32 s16, s7;
	_ =	swait.ge [sflag:s14], $0xA000  }
.Ltmp1:
0x9b: {  	[sflag:s14] =	ssyncset.done $0x0;
	(pc) =	sbr.rel @p0 .LBB2_1-.Ltmp1, $4  }
0x9c: {  	[sflag:s14] =	ssyncadd.s32 $0xFFFF6000  }
0x9d: {  	_ =	swait.ge [sflag:s15], $0xA000  }
0x9e: {  	[sflag:s15] =	ssyncset.done $0x0  }
0x9f: {  	[sflag:s15] =	ssyncadd.s32 $0xFFFF6000  }
0xa0: {  	_ =	sfence.sel $0x180000  }
0xa1: {  	[bflag:$0x0] =	sbarrier.arrive $0xFFFF  }
0xa2: {  	p0 =	sne.s32 s1, $0x0;
	_ =	strace $0x90000047  }
0xa3: {  	s0 =	sadd.s32 @!p0 $0x100000, s0;
	[bflag:$0x2] =	sbarrier.arrive $0xFFFF  }
0xa4: {  	[sflag:s0] =	ssyncadd.tile.s32 @!p0 $0x1;
	_ =	shalt  }
.Lfunc_end2:
_tile_overlayer_lowered:
.L_overlay_start_2:
0xa5: {  	(tag) =	ssettag $0x2  }
0xa6: {  	s0 =	rddreg [dreg:$0x0];
	s2 =	stileid.u32  }
0xa7: {  	s1 =	rddreg [dreg:$0x1];
	p0 =	sne.s32 s2, $0x0  }
0xa8: {  	s3 =	rddreg [dreg:$0x2];
	[bflag:$0x3] =	sbarrier.arrive $0xFFFF;
	s2 =	simm.s32 @!p0 $0x1C07  }
0xa9: {  	[timem:s3], [sflag:s2] =	dma.local @!p0 [hbm:s0], s1  }
0xaa: {  	s0 =	simm.s32 @!p0 $0x7  }
0xab: {  	_ =	swait.ge @!p0 [sflag:s0], s1  }
0xac: {  	s1 =	ssub.s32 @!p0 $0x0, s1;
	[sflag:s0] =	ssyncset.done @!p0 $0x0  }
0xad: {  	[sflag:s0] =	ssyncadd.s32 @!p0 s1  }
0xae: {  	[bflag:$0x3] =	sbarrier.arrive $0xFFFF  }
0xaf: {  	_ =	shalt  }

// kernel: sparse-core-data-format-call.cloned.1.call-start
scs
called_computation_lowered:
.L_overlay_start_0:
0x0: {  	s2 =	sld [smem:$0x3FD9]  }
0x1: {  	s3 =	sld [smem:$0x3FFE];
	_ =	sdelay $0x1  }
0x2: {  	s1 =	srdreg.scid  }
0x3: {  	s0 =	sand.u32 $0x1, s1  }
0x4: {  	s15 =	sshll.u32 s0, $0xA;
	s2 =	sadd.s32 s3, s2  }
0x5: {  	s2 =	sadd.s32 s2, s15  }
0x6: {  	[smem:$0x3FC4] =	sst s2  }
0x7: {  	_ = 	snop  }
0x8: {  	s2 =	sld [smem:$0x3FD0];
	_ =	sdelay $0x2  }
0x9: {  	s16 =	simm.s32 $0xA;
	s4 =	simm.s32 $0x10  }
0xa: {  	[smem:s4], [sflag:s16] =	dma.local [hbm:s2], $0x1  }
0xb: {  	_ =	swait.eq [sflag:s16], $0x1  }
0xc: {  	[sflag:s16] =	ssyncset.done $0x0  }
0xd: {  	[sflag:s16] =	ssyncadd.s32 $0xFFFFFFFF  }
0xe: {  	s17 =	sld [smem:$0x10];
	(tm) =	ssettm $0x1  }
0xf: {  	s18 =	sld [smem:$0x3FFB];
	_ =	sdelay $0x3  }
0x10: {  	_ =	strace s18  }
0x11: {  	s3 =	sld [smem:$0x3FFC];
	_ =	sdelay $0x3  }
0x12: {  	_ =	strace s3  }
0x13: {  	s3 =	sld [smem:$0x3FFD];
	_ =	sdelay $0x3  }
0x14: {  	_ =	strace s3  }
0x15: {  	_ =	strace $0x8FFFFFFF  }
0x16: {  	s19 =	sld [smem:$0x3FDB];
	_ =	sdelay $0x1  }
0x17: {  	s20 =	simm.s32 $_scs_section_size  }
0x18: {  	s5 =	simm.s32 $_size__tile_overlayer_lowered;
	s6 =	simm.s32 $_tile_overlayer_lowered  }
0x19: {  	s23 =	simm.s32 $0x1BFF;
	s22 =	sshll.u32 s6, $0x1;
	s3 =	sadd.s32 s20, s19  }
0x1a: {  	s7 =	simm.s32 $0x0;
	s21 =	sshll.u32 s5, $0x1;
	s5 =	sadd.s32 s22, s3  }
0x1b: {  	[timem:s7], [sflag:s23] =	dma.local [hbm:s5], s21  }
0x1c: {  	_ =	swait.ge [sflag:s23], s21  }
0x1d: {  	s4 =	ssub.s32 $0x0, s21;
	[sflag:s23] =	ssyncset.done $0x0  }
0x1e: {  	[sflag:s23] =	ssyncadd.s32 s4;
	_ =	sdelay $0x1  }
0x1f: {  	s24 =	simm.s32 $0x1B8B  }
0x20: {  	_ =	swait.ge [sflag:s24], $0x1  }
0x21: {  	[sflag:s24] =	ssyncset.done $0x0  }
0x22: {  	s26 =	simm.s32 $0x1B8E;
	s25 =	sld [smem:$0x3FFE];
	[sflag:s24] =	ssyncadd.s32 $0xFFFFFFFF  }
0x23: {  	s27 =	simm.s32 $execute0_lowered;
	[smem:$0x3FD2] =	sst s26  }
0x24: {  	s5 =	sshll.u32 s27, $0x1;
	_ =	strace $0x80000049;
	[dreg:$0x1] =	wrdreg $0xFFFFFFFF  }
0x25: {  	s28 =	simm.s32 $_size_execute0_lowered;
	s3 =	sadd.s32 s3, s5;
	[dreg:$0x0] =	wrdreg $0x0  }
0x26: {  	s5 =	sshll.u32 s28, $0x1;
	[dreg:$0x2] =	wrdreg s3  }
0x27: {  	[dreg:$0x3] =	wrdreg s5  }
0x28: {  	[dreg:$0x4] =	wrdreg $0xC0  }
0x29: {  	_ =	task [dreg:s7], $0x5FFFF  }
0x2a: {  	[dreg:$0x1] =	wrdreg $0xFFFFFFFF  }
0x2b: {  	[dreg:$0x0] =	wrdreg $0x60  }
0x2c: {  	[dreg:$0x2] =	wrdreg s25  }
0x2d: {  	[dreg:$0x3] =	wrdreg s17  }
0x2e: {  	[dreg:$0x4] =	wrdreg $0x9  }
0x2f: {  	_ =	task.clear_ibuf [dreg:s7], $0x5FFFF;
	_ =	strace $0x90000049  }
0x30: {  	s29 =	simm.s32 $0x9;
	_ =	strace $0x8000004B  }
0x31: {  	_ =	swait.ge [sflag:s29], $0x1  }
0x32: {  	[sflag:s29] =	ssyncadd.s32 $0xFFFFFFFF  }
0x33: {  	_ =	strace $0x9000004B  }
0x34: {  	_ =	sfence  }
0x35: {  	s30 =	sld [smem:$0x0];
	_ =	sdelay $0x2  }
0x36: {  	s31 =	sshll.u32 s1, $0xD;
	s1 =	sshrl.u32 s1, $0x2  }
0x37: {  	s3 =	sand.u32 $0x4000, s31;
	s1 =	sadd.s32 s1, s30  }
0x38: {  	s0 =	sor.u32 s3, s0;
	s1 =	sshll.u32 s1, $0x11  }
0x39: {  	s0 =	sor.u32 s1, s0  }
0x3a: {  	s0 =	sadd.s32 $0x8F2B, s0  }
0x3b: {  	[sflag:s0] =	ssyncadd.remote.s32 $0x1  }
0x3c: {  	_ =	sfence.sel $0xFFFF  }
0x3d: {  	[dreg:$0x0] =	wrdreg $0xFFFFFFFF;
	(pc) =	sbr.abs _section_cstart, $3  }
0x3e: {  	[dreg:$0x1] =	wrdreg $0xFFFFFFFF  }
0x3f: {  	_ =	task.clear_ibuf [dreg:s7], $0x2FFFF;
	_ =	strace $0x9FFFFFFF  }
0x40: {  	(tm) =	ssettm $0x7FFFFFFF  }
0x41: {  	_ =	shalt  }
tec
execute0_lowered:
.L_overlay_start_1:
0x0: {  	(tag) =	ssettag $0x1  }
0x1: {  	s0 =	srdreg.scid  }
0x2: {  	s1 =	sshll.u32 s0, $0x4  }
0x3: {  	s0 =	stileid.u32;
	s1 =	sand.u32 $0x10, s1  }
0x4: {  	s1 =	sor.u32 s0, s1  }
0x5: {  	s6 =	rddreg [dreg:$0x0];
	s4 =	simm.s32 $0x1;
	s2 =	sshll.u32 s1, $0x7  }
0x6: {  	s7 =	simm.s32 $0x2;
	s12 =	simm.s32 $0x0;
	s1 =	ssub.s32 $0x4000, s2  }
0x7: {  	s8 =	simm.s32 $0x20000;
	s13 =	simm.s32 $0x0;
	s3 =	sand.u32 $0xF80, s1  }
0x8: {  	s9 =	simm.s32 $0x0;
	s5 =	sshrl.u32 s1, $0xC;
	p0 =	sne.s32 s3, $0x0  }
.Ltmp0:
0x9: {  	s1 =	rddreg [dreg:$0x2];
	s4 =	simm.s32 @!p0 $0x0;
	(pc) =	sbr.rel .LBB1_1-.Ltmp0, $4  }
0xa: {  	s11 =	simm.s32 $0x0;
	s3 =	rddreg [dreg:$0x1];
	s5 =	sadd.s32 s4, s5  }
0xb: {  	_ =	strace $0x8000004A;
	s4 =	simm.s32 $0x1;
	s5 =	smul.u32 $0xC8, s5  }
0xc: {  	s6 =	sadd.s32 $0xE00, s6;
	s10 =	smov.u32 s2;
	[sflag:s4] =	ssyncpa.u1 $0x0  }
0xd: {  	p0 =	por $0x0, $0x0;
	[sflag:s7] =	ssyncpa.u1 $0x0;
	s7 =	sor.u32 $0x1, s5  }
.LBB1_4:
0xe: {  	s16 =	sshll.u32 s13, $0x3;
	s17 =	sand.u32 $0x78, s13  }
0xf: {  	s30 =	sand.u32 $0x1F800, s13;
	s12 =	sshll.u32 s12, $0x11;
	s16 =	sand.u32 $0x3C00, s16  }
0x10: {  	[tilespmem:s15+$0x810 ss:$0x81] =	vst.msk $0xffff, v2;
	s31 =	sand.u32 $0x7, s13;
	s16 =	sor.u32 s17, s16;
	s17 =	sadd.s32 s3, s30  }
0x11: {  	[tilespmem:s15+$0x1020 ss:$0x81] =	vst.msk $0xffff, v0;
	s13 =	sshll.u32 s31, $0x12;
	s12 =	sadd.s32 s12, s17;
	s16 =	sshrl.u32 s16, $0x3  }
0x12: {  	[tilespmem:s15+$0x0 ss:$0x81] =	vst.msk $0xffff, v1;
	s13 =	sor.u32 $0x400, s13;
	s12 =	sadd.s32 s16, s12  }
0x13: {  	[hbm4b:s12+s13] =	stream.strided.scatter [tilespmem:s14], [sflag:$0x2], $0x2000, s8, s13, $0x20;
	[tilespmem:$0x8080] =	vst v63  }
.LBB1_5:
0x14: {  	s14 =	sadd.s32 $0x1, s9  }
0x15: {  	s12 =	sadd.s32 $0x1000, s10;
	s16 =	smov.u32 s10;
	p2 =	sgt.s32 s14, $0xC7  }
0x16: {  	s16 =	smov.u32 @p2 s12  }
0x17: {  	s14 =	simm.s32 @p2 $0x0;
	p2 =	sgt.s32 s16, $0x3FFF  }
0x18: {  	s16 =	smov.u32 @p2 s2;
	p2 =	sne.s32 s11, s7  }
.Ltmp1:
0x19: {  	p1 =	slt.u32 s11, $0x2;
	(pc) =	sbr.rel @!p2 .LBB1_6-.Ltmp1, $4  }
0x1a: {  	s15 =	simm.s32 @!p1 $0x2  }
0x1b: {  	s13 =	smov.u32 s10;
	p0 =	por !p0, !p0;
	_ =	swait.ge @!p1 [sflag:s15], $0x2000  }
0x1c: {  	s12 =	smov.u32 s9;
	[sflag:s15] =	ssyncset.done @!p1 $0x0;
	s9 =	smov.u32 s14  }
0x1d: {  	s11 =	sadd.s32 $0x1, s11;
	[sflag:s15] =	ssyncadd.s32 @!p1 $0xFFFFE000;
	s10 =	smov.u32 s16  }
.LBB1_1:
0x1e: {  	p1 =	sge.u32 s11, s5  }
0x1f: {  	s14 =	sand.u32 @!p1 $0x1FFFFFF, s9  }
0x20: {  	s15 =	smulhi.u32 @!p1 $0x147AE15, s14;
	_ =	sdelay $0x1  }
0x21: {  	s15 =	smul.u32 @!p1 $0xC8, s15  }
0x22: {  	s16 =	sxor.u32 @!p1 $0xFFFFFFFF, s11;
	s17 =	smul.u32 @!p1 $0xC80, s10  }
0x23: {  	s31 =	sadd.s32 $0xFFFFFFFF, s11;
	s16 =	sshll.u32 @!p1 s16, $0xD;
	s14 =	ssub.s32 @!p1 s14, s15  }
0x24: {  	s15 =	sand.u32 @!p1 $0x2000, s16;
	s16 =	sadd.s32 @!p1 s6, s17;
	s14 =	sshll.u32 @!p1 s14, $0x4  }
0x25: {  	s17 =	simm.s32 @!p1 $0x6400;
	s14 =	sadd.s32 @!p1 s14, s16;
	s16 =	simm.s32 @!p1 $0x40  }
0x26: {  	[tilespmem:s15], [sflag:$0x1] =	stream.strided.gather @!p1 [hbm4b:s14+s16], $0x2000, s17, s16, $0x38;
	[tilespmem:$0x8080] =	vst v63  }
0x27: {  	p1 =	sge.u32 s31, s5  }
.Ltmp2:
0x28: {  	_ = 	snop;
	(pc) =	sbr.rel @p1 .LBB1_5-.Ltmp2, $1  }
0x29: {  	_ =	sdelay $0x3  }
0x2a: {  	s14 =	simm.s32 $0x1  }
0x2b: {  	_ =	swait.ge [sflag:s4], $0x2000;
	s14 =	simm.s32 @!p0 $0x0  }
0x2c: {  	[sflag:s4] =	ssyncset.done $0x0;
	s15 =	sshll.u32 s14, $0xD  }
0x2d: {  	[sflag:s4] =	ssyncadd.s32 $0xFFFFE000;
	s18 =	sor.u32 $0x20, s15  }
0x2e: {  	s14 =	smul.u32 $0x8100, s14;
	v3 =	vld [tilespmem:s18+$0x10]  }
0x2f: {  	s30 =	sand.u32 $0x1, s11;
	v2 =	vld [tilespmem:s18+$0xFFFFFFF0]  }
0x30: {  	s15 =	smul.u32 $0x8100, s30;
	s14 =	sshrl.u32 s14, $0x2;
	v0 =	vld [tilespmem:s18+$0x0]  }
0x31: {  	v1 =	vld [tilespmem:s18+$0xFFFFFFE0];
	s16 =	sor.u32 $0x4000, s14  }
0x32: {  	s31 =	sshrl.u32 s15, $0x2;
	s15 =	sadd.s32 $0x0, s16  }
0x33: {  	s17 =	simm.s32 $0x4;
	s18 =	sadd.s32 $0x40, s18;
	s14 =	sor.u32 $0x4000, s31;
	[tilespmem:s15+$0x1830 ss:$0x81] =	vst.msk $0xffff, v3  }
.LBB1_3:
0x34: {  	v3 =	vld [tilespmem:s18+$0x10];
	p1 =	sne.s32 s17, $0x1FC;
	[tilespmem:s15+$0x810 ss:$0x81] =	vst.msk $0xffff, v2;
	s19 =	smov.u32 s17;
	s17 =	sadd.s32 $0x4, s17  }
.Ltmp3:
0x35: {  	v2 =	vld [tilespmem:s18+$0xFFFFFFF0];
	[tilespmem:s15+$0x1020 ss:$0x81] =	vst.msk $0xffff, v0;
	(pc) =	sbr.rel @p1 .LBB1_3-.Ltmp3, $4  }
0x36: {  	v0 =	vld [tilespmem:s18+$0x0];
	[tilespmem:s15+$0x0 ss:$0x81] =	vst.msk $0xffff, v1  }
0x37: {  	s15 =	sshra.s32 s19, $0x2;
	v1 =	vld [tilespmem:s18+$0xFFFFFFE0]  }
0x38: {  	s15 =	sadd.s32 s15, s16  }
0x39: {  	s18 =	sadd.s32 $0x40, s18;
	[tilespmem:s15+$0x1830 ss:$0x81] =	vst.msk $0xffff, v3  }
.Ltmp4:
0x3a: {  	_ = 	snop;
	(pc) =	sbr.rel .LBB1_4-.Ltmp4, $1  }
0x3b: {  	_ =	sdelay $0x3  }
.LBB1_6:
0x3c: {  	_ =	sfence.sel $0x180000  }
0x3d: {  	s2 =	simm.s32 $0x1;
	[bflag:$0x0] =	sbarrier.arrive $0xFFFF  }
0x3e: {  	s31 =	simm.s32 $0x2;
	[sflag:s2] =	ssyncpa.u1 $0x1  }
0x3f: {  	[sflag:s31] =	ssyncpa.u1 $0x1  }
0x40: {  	p0 =	sne.s32 s0, $0x0;
	_ =	strace $0x9000004A  }
0x41: {  	s0 =	sadd.s32 @!p0 $0x100000, s1;
	[bflag:$0x2] =	sbarrier.arrive $0xFFFF  }
0x42: {  	[sflag:s0] =	ssyncadd.tile.s32 @!p0 $0x1;
	_ =	shalt  }
.Lfunc_end1:
_tile_overlayer_lowered:
.L_overlay_start_2:
0x43: {  	(tag) =	ssettag $0x2  }
0x44: {  	s0 =	rddreg [dreg:$0x0];
	s2 =	stileid.u32  }
0x45: {  	s1 =	rddreg [dreg:$0x1];
	p0 =	sne.s32 s2, $0x0  }
0x46: {  	s3 =	rddreg [dreg:$0x2];
	[bflag:$0x3] =	sbarrier.arrive $0xFFFF;
	s2 =	simm.s32 @!p0 $0x1C01  }
0x47: {  	[timem:s3], [sflag:s2] =	dma.local @!p0 [hbm:s0], s1  }
0x48: {  	s0 =	simm.s32 @!p0 $0x1  }
0x49: {  	_ =	swait.ge @!p0 [sflag:s0], s1  }
0x4a: {  	s1 =	ssub.s32 @!p0 $0x0, s1;
	[sflag:s0] =	ssyncset.done @!p0 $0x0  }
0x4b: {  	[sflag:s0] =	ssyncadd.s32 @!p0 s1  }
0x4c: {  	[bflag:$0x3] =	sbarrier.arrive $0xFFFF  }
0x4d: {  	_ =	shalt  }

</sc_bundles>
